<compile_context>
chip_gen: v7x
topology: tpu7x:2x2x1
jax: 0.10.2.dev20260603
libtpu: 0.0.44.dev20260713+nightly
codegen_flags: <defaults>
</compile_context>

<pallas_src>
import functools

import jax
import jax.numpy as jnp
from jax import lax
from jax.experimental import pallas as pl
from jax.experimental.pallas import tpu as pltpu
from jax.experimental.pallas import tpu_sc as plsc

_N_NODES = 10000
_N_EDGES = 160000
_D = 256
_DH = 128
_NC = 2
_NS = 16
_B = 128
_NB = 80
_NBH = 40
_EDGES_PAD = _NS * _NB * _B
_ACC_ROWS = 10240
_ZROWS = _ACC_ROWS // _NS
_OROWS = _ACC_ROWS // _NS


def _sc_segment_sum(fr, src_r, dst_r, zeros):
    mesh = plsc.VectorSubcoreMesh(core_axis_name="c", subcore_axis_name="s")
    h_ty = jax.ShapeDtypeStruct((_ACC_ROWS, _DH), jnp.float32)

    @functools.partial(
        pl.kernel,
        out_type=[h_ty, h_ty],
        mesh=mesh,
        scratch_types=[
            pltpu.VMEM((_NBH, _B), jnp.int32),
            pltpu.VMEM((_NBH, _B), jnp.int32),
            pltpu.VMEM((_B, _DH), jnp.float32),
            pltpu.VMEM((_B, _DH), jnp.float32),
            pltpu.VMEM_SHARED((_ACC_ROWS, _DH), jnp.float32),
            pltpu.SemaphoreType.DMA,
            pltpu.SemaphoreType.DMA,
            pltpu.SemaphoreType.DMA,
            pltpu.SemaphoreType.DMA,
        ],
    )
    def scatter_kernel(f_hbm, src_hbm, dst_hbm, z_hbm,
                       h0_hbm, h1_hbm, src_v, dst_v, rows0, rows1, acc,
                       gsem0, gsem1, ssem0, ssem1):
        c = lax.axis_index("c")
        s = lax.axis_index("s")

        pltpu.sync_copy(z_hbm, acc.at[pl.ds(s * _ZROWS, _ZROWS)])
        plsc.subcore_barrier()

        def run():
            def g_start(i, buf, sem):
                pltpu.async_copy(f_hbm.at[src_v.at[i]], buf, sem)

            def g_wait(i, buf, sem):
                pltpu.make_async_copy(f_hbm.at[src_v.at[i]], buf, sem).wait()

            def s_start(i, buf, sem):
                pltpu.async_copy(buf, acc.at[dst_v.at[i]], sem, add=True)

            def s_wait(i, buf, sem):
                pltpu.make_async_copy(buf, acc.at[dst_v.at[i]], sem).wait()

            for half in range(_NB // _NBH):
                sl = pl.ds(half * _NBH, _NBH)
                pltpu.sync_copy(src_hbm.at[c, s, sl], src_v)
                pltpu.sync_copy(dst_hbm.at[s, sl], dst_v)

                g_start(0, rows0, gsem0)
                g_start(1, rows1, gsem1)
                g_wait(0, rows0, gsem0)
                s_start(0, rows0, ssem0)

                @pl.loop(0, (_NBH - 2) // 2)
                def _(j):
                    b = 2 * j
                    g_wait(b + 1, rows1, gsem1)
                    s_wait(b, rows0, ssem0)
                    g_start(b + 2, rows0, gsem0)
                    s_start(b + 1, rows1, ssem1)
                    g_wait(b + 2, rows0, gsem0)
                    s_wait(b + 1, rows1, ssem1)
                    g_start(b + 3, rows1, gsem1)
                    s_start(b + 2, rows0, ssem0)

                g_wait(_NBH - 1, rows1, gsem1)
                s_wait(_NBH - 2, rows0, ssem0)
                s_start(_NBH - 1, rows1, ssem1)
                s_wait(_NBH - 1, rows1, ssem1)

        run()

        plsc.subcore_barrier()

        def emit(h_hbm):
            sl = pl.ds(s * _OROWS, _OROWS)
            pltpu.sync_copy(acc.at[sl], h_hbm.at[sl])

        @pl.when(c == 0)
        def _():
            emit(h0_hbm)

        @pl.when(c == 1)
        def _():
            emit(h1_hbm)

    return scatter_kernel(fr, src_r, dst_r, zeros)


_MM_ROWS = 2000


def _mm_body(h0_ref, h1_ref, w_ref, b_ref, o_ref):
    acc = lax.dot_general(
        h0_ref[...], w_ref[:, :_DH],
        dimension_numbers=(((1,), (1,)), ((), ())),
        preferred_element_type=jnp.float32,
    )
    acc += lax.dot_general(
        h1_ref[...], w_ref[:, _DH:],
        dimension_numbers=(((1,), (1,)), ((), ())),
        preferred_element_type=jnp.float32,
    )
    o_ref[...] = acc + b_ref[...]


def _linear(h0, h1, W, b2):
    grid = (_N_NODES // _MM_ROWS,)
    return pl.pallas_call(
        _mm_body,
        grid=grid,
        in_specs=[
            pl.BlockSpec((_MM_ROWS, _DH), lambda i: (i, 0)),
            pl.BlockSpec((_MM_ROWS, _DH), lambda i: (i, 0)),
            pl.BlockSpec((_D, _D), lambda i: (0, 0)),
            pl.BlockSpec((1, _D), lambda i: (0, 0)),
        ],
        out_specs=pl.BlockSpec((_MM_ROWS, _D), lambda i: (i, 0)),
        out_shape=jax.ShapeDtypeStruct((_N_NODES, _D), jnp.float32),
    )(h0, h1, W, b2)


def kernel(feature, edge_index, W, b):
    fr = feature.reshape(2 * _N_NODES, _DH)
    ei = edge_index.astype(jnp.int32)
    pad = _EDGES_PAD - _N_EDGES
    src = jnp.concatenate([ei[0], jnp.zeros((pad,), jnp.int32)])
    dst = jnp.concatenate([ei[1], jnp.full((pad,), _N_NODES, jnp.int32)])
    src2 = 2 * src
    src_r = jnp.stack([src2, src2 + 1]).reshape(2, _NS, _NB, _B)
    dst_r = dst.reshape(_NS, _NB, _B)
    zeros = jnp.zeros((_ZROWS, _DH), jnp.float32)
    h0, h1 = _sc_segment_sum(fr, src_r, dst_r, zeros)
    return _linear(h0, h1, W, b.reshape(1, _D))

# --- scband reference (transcript-rebuilt; emitter-appended) ---
"""Pipeline reference for scband-gcnlayer-for-autoencoding-47313359732777 (READ-ONLY COPY).

The authoritative reference and input builder live on the scoring server;
editing this copy changes nothing except your own understanding.
"""

import jax, jax.numpy as jnp
import numpy as np

N_NODES = 10000
N_EDGES = 160000
D_IN = 256
D_OUT = 256

def setup_inputs(seed: int = 0) -> dict:
    key = jax.random.key(seed)
    k1, k2, k3, k4 = jax.random.split(key, 4)
    feature = jax.random.normal(k1, (N_NODES, D_IN), dtype=jnp.float32)
    edge_index = jax.random.randint(k2, (2, N_EDGES), 0, N_NODES, dtype=jnp.int64)
    # nn.Linear params: W [out, in], b [out]
    bound = 1.0 / np.sqrt(D_IN)
    W = jax.random.uniform(k3, (D_OUT, D_IN), minval=-bound, maxval=bound, dtype=jnp.float32)
    b = jax.random.uniform(k4, (D_OUT,), minval=-bound, maxval=bound, dtype=jnp.float32)
    return {"feature": feature, "edge_index": edge_index, "W": W, "b": b}

def reference(feature, edge_index, W, b):
    # DGL copy_u(u='e', out='m') + sum(msg='m', out='e'):
    # each edge copies the source node feature, summed at the destination node.
    src = edge_index[0]
    dst = edge_index[1]
    msgs = jnp.take(feature, src, axis=0)            # gather source features per edge
    h = jax.ops.segment_sum(msgs, dst, num_segments=N_NODES)  # scatter-add to dst nodes
    # nn.Linear
    return h @ W.T + b

if __name__ == "__main__":
    import jax
    _d = setup_inputs()
    print(jax.jit(kernel)(*tuple(_d.values())))

</pallas_src>

<mosaic_0001>
#map = affine_map<(d0, d1) -> (0, 0)>
#map1 = affine_map<(d0, d1) -> (0, 0, 0, 0)>
#map2 = affine_map<(d0, d1) -> (0, 0, 0)>
module attributes {stable_mosaic.version = 14 : i64} {
  func.func @scatter_kernel(%arg0: i32, %arg1: i32, %arg2: memref<20000x128xf32, #tpu.memory_space<hbm>>, %arg3: memref<2x16x80x128xi32, #tpu.memory_space<hbm>>, %arg4: memref<16x80x128xi32, #tpu.memory_space<hbm>>, %arg5: memref<640x128xf32, #tpu.memory_space<hbm>>, %arg6: memref<10240x128xf32, #tpu.memory_space<hbm>>, %arg7: memref<10240x128xf32, #tpu.memory_space<hbm>>, %arg8: memref<40x128xi32, #tpu.memory_space<vmem>>, %arg9: memref<40x128xi32, #tpu.memory_space<vmem>>, %arg10: memref<128x128xf32, #tpu.memory_space<vmem>>, %arg11: memref<128x128xf32, #tpu.memory_space<vmem>>, %arg12: memref<10240x128xf32, #tpu.memory_space<vmem_shared>>, %arg13: memref<!tpu.dma_semaphore, #tpu.memory_space<semaphore_mem>>, %arg14: memref<!tpu.dma_semaphore, #tpu.memory_space<semaphore_mem>>, %arg15: memref<!tpu.dma_semaphore, #tpu.memory_space<semaphore_mem>>, %arg16: memref<!tpu.dma_semaphore, #tpu.memory_space<semaphore_mem>>) attributes {dimension_semantics = [#tpu.dimension_semantics<core_parallel>, #tpu.dimension_semantics<subcore_parallel>], iteration_bounds = array<i64: 2, 16>, scalar_prefetch = 0 : i64, scratch_operands = 9 : i64, tpu.core_type = #tpu.core_type<sc_vector_subcore>, window_params = [{transform_indices = #map}, {transform_indices = #map1}, {transform_indices = #map2}, {transform_indices = #map}, {transform_indices = #map}, {transform_indices = #map}]} {
    %mul3A = arith.constant 640 : i32
    %mul3A_0 = arith.muli %arg1, %mul3A : i32
    "tpu.region"() ({
      %run_scoped3A = tpu.sem_alloc : memref<!tpu.dma_semaphore, #tpu.memory_space<semaphore_mem>>
      %dma_start3A_128 = arith.constant 0 : i32
      %dma_start3A_129 = tpu.memref_slice %arg12[%mul3A_0, %dma_start3A_128] : memref<10240x128xf32, #tpu.memory_space<vmem_shared>> -> memref<640x128xf32, #tpu.memory_space<vmem_shared>>
      tpu.enqueue_dma source(%arg5 : memref<640x128xf32, #tpu.memory_space<hbm>>) target(%dma_start3A_129 : memref<640x128xf32, #tpu.memory_space<vmem_shared>>) target_semaphore(%run_scoped3A : memref<!tpu.dma_semaphore, #tpu.memory_space<semaphore_mem>>)
      %dma_wait3A_130 = arith.constant 0 : i32
      %dma_wait3A_131 = tpu.memref_slice %arg12[%mul3A_0, %dma_wait3A_130] : memref<10240x128xf32, #tpu.memory_space<vmem_shared>> -> memref<640x128xf32, #tpu.memory_space<vmem_shared>>
      tpu.wait_dma2 semaphore(%run_scoped3A : memref<!tpu.dma_semaphore, #tpu.memory_space<semaphore_mem>>) src(%arg5 : memref<640x128xf32, #tpu.memory_space<hbm>>) dst(%dma_wait3A_131 : memref<640x128xf32, #tpu.memory_space<vmem_shared>>)
      tpu.yield
    }) : () -> ()
    %barrier3A = arith.constant 0 : index
    tpu.barrier barrier_id(%barrier3A)
    "tpu.region"() ({
      %run_scoped3A = tpu.sem_alloc : memref<!tpu.dma_semaphore, #tpu.memory_space<semaphore_mem>>
      %dma_start3A_128 = arith.constant 0 : i32
      %dma_start3A_129 = arith.constant 0 : i32
      %dma_start3A_130 = tpu.memref_slice %arg3[%arg0, %arg1, %dma_start3A_128, %dma_start3A_129] : memref<2x16x80x128xi32, #tpu.memory_space<hbm>> -> memref<1x1x40x128xi32, #tpu.memory_space<hbm>>
      %dma_start3A_131 = tpu.memref_squeeze %dma_start3A_130 : memref<1x1x40x128xi32, #tpu.memory_space<hbm>> -> memref<40x128xi32, #tpu.memory_space<hbm>>
      %dma_start3A_132 = arith.constant 0 : i32
      %dma_start3A_133 = arith.constant 0 : i32
      %dma_start3A_134 = tpu.memref_slice %arg3[%arg0, %arg1, %dma_start3A_132, %dma_start3A_133] : memref<2x16x80x128xi32, #tpu.memory_space<hbm>> -> memref<1x1x40x128xi32, #tpu.memory_space<hbm>>
      %dma_start3A_135 = tpu.memref_squeeze %dma_start3A_134 : memref<1x1x40x128xi32, #tpu.memory_space<hbm>> -> memref<40x128xi32, #tpu.memory_space<hbm>>
      tpu.enqueue_dma source(%dma_start3A_135 : memref<40x128xi32, #tpu.memory_space<hbm>>) target(%arg8 : memref<40x128xi32, #tpu.memory_space<vmem>>) target_semaphore(%run_scoped3A : memref<!tpu.dma_semaphore, #tpu.memory_space<semaphore_mem>>)
      %dma_wait3A_136 = arith.constant 0 : i32
      %dma_wait3A_137 = arith.constant 0 : i32
      %dma_wait3A_138 = tpu.memref_slice %arg3[%arg0, %arg1, %dma_wait3A_136, %dma_wait3A_137] : memref<2x16x80x128xi32, #tpu.memory_space<hbm>> -> memref<1x1x40x128xi32, #tpu.memory_space<hbm>>
      %dma_wait3A_139 = tpu.memref_squeeze %dma_wait3A_138 : memref<1x1x40x128xi32, #tpu.memory_space<hbm>> -> memref<40x128xi32, #tpu.memory_space<hbm>>
      %dma_wait3A_140 = arith.constant 0 : i32
      %dma_wait3A_141 = arith.constant 0 : i32
      %dma_wait3A_142 = tpu.memref_slice %arg3[%arg0, %arg1, %dma_wait3A_140, %dma_wait3A_141] : memref<2x16x80x128xi32, #tpu.memory_space<hbm>> -> memref<1x1x40x128xi32, #tpu.memory_space<hbm>>
      %dma_wait3A_143 = tpu.memref_squeeze %dma_wait3A_142 : memref<1x1x40x128xi32, #tpu.memory_space<hbm>> -> memref<40x128xi32, #tpu.memory_space<hbm>>
      tpu.wait_dma2 semaphore(%run_scoped3A : memref<!tpu.dma_semaphore, #tpu.memory_space<semaphore_mem>>) src(%dma_wait3A_143 : memref<40x128xi32, #tpu.memory_space<hbm>>) dst(%arg8 : memref<40x128xi32, #tpu.memory_space<vmem>>)
      tpu.yield
    }) : () -> ()
    "tpu.region"() ({
      %run_scoped3A = tpu.sem_alloc : memref<!tpu.dma_semaphore, #tpu.memory_space<semaphore_mem>>
      %dma_start3A_128 = arith.constant 0 : i32
      %dma_start3A_129 = arith.constant 0 : i32
      %dma_start3A_130 = tpu.memref_slice %arg4[%arg1, %dma_start3A_128, %dma_start3A_129] : memref<16x80x128xi32, #tpu.memory_space<hbm>> -> memref<1x40x128xi32, #tpu.memory_space<hbm>>
      %dma_start3A_131 = tpu.memref_squeeze %dma_start3A_130 : memref<1x40x128xi32, #tpu.memory_space<hbm>> -> memref<40x128xi32, #tpu.memory_space<hbm>>
      %dma_start3A_132 = arith.constant 0 : i32
      %dma_start3A_133 = arith.constant 0 : i32
      %dma_start3A_134 = tpu.memref_slice %arg4[%arg1, %dma_start3A_132, %dma_start3A_133] : memref<16x80x128xi32, #tpu.memory_space<hbm>> -> memref<1x40x128xi32, #tpu.memory_space<hbm>>
      %dma_start3A_135 = tpu.memref_squeeze %dma_start3A_134 : memref<1x40x128xi32, #tpu.memory_space<hbm>> -> memref<40x128xi32, #tpu.memory_space<hbm>>
      tpu.enqueue_dma source(%dma_start3A_135 : memref<40x128xi32, #tpu.memory_space<hbm>>) target(%arg9 : memref<40x128xi32, #tpu.memory_space<vmem>>) target_semaphore(%run_scoped3A : memref<!tpu.dma_semaphore, #tpu.memory_space<semaphore_mem>>)
      %dma_wait3A_136 = arith.constant 0 : i32
      %dma_wait3A_137 = arith.constant 0 : i32
      %dma_wait3A_138 = tpu.memref_slice %arg4[%arg1, %dma_wait3A_136, %dma_wait3A_137] : memref<16x80x128xi32, #tpu.memory_space<hbm>> -> memref<1x40x128xi32, #tpu.memory_space<hbm>>
      %dma_wait3A_139 = tpu.memref_squeeze %dma_wait3A_138 : memref<1x40x128xi32, #tpu.memory_space<hbm>> -> memref<40x128xi32, #tpu.memory_space<hbm>>
      %dma_wait3A_140 = arith.constant 0 : i32
      %dma_wait3A_141 = arith.constant 0 : i32
      %dma_wait3A_142 = tpu.memref_slice %arg4[%arg1, %dma_wait3A_140, %dma_wait3A_141] : memref<16x80x128xi32, #tpu.memory_space<hbm>> -> memref<1x40x128xi32, #tpu.memory_space<hbm>>
      %dma_wait3A_143 = tpu.memref_squeeze %dma_wait3A_142 : memref<1x40x128xi32, #tpu.memory_space<hbm>> -> memref<40x128xi32, #tpu.memory_space<hbm>>
      tpu.wait_dma2 semaphore(%run_scoped3A : memref<!tpu.dma_semaphore, #tpu.memory_space<semaphore_mem>>) src(%dma_wait3A_143 : memref<40x128xi32, #tpu.memory_space<hbm>>) dst(%arg9 : memref<40x128xi32, #tpu.memory_space<vmem>>)
      tpu.yield
    }) : () -> ()
    %dma_start3A = arith.constant 0 : i32
    %dma_start3A_1 = arith.constant 0 : i32
    %dma_start3A_2 = tpu.memref_slice %arg8[%dma_start3A, %dma_start3A_1] : memref<40x128xi32, #tpu.memory_space<vmem>> -> memref<1x128xi32, #tpu.memory_space<vmem>>
    %dma_start3A_3 = tpu.memref_squeeze %dma_start3A_2 : memref<1x128xi32, #tpu.memory_space<vmem>> -> memref<128xi32, #tpu.memory_space<vmem>>
    %dma_start3A_4 = arith.constant 0 : i32
    %dma_start3A_5 = arith.constant 0 : i32
    %dma_start3A_6 = tpu.memref_slice %arg2[%dma_start3A_4, %dma_start3A_5] : memref<20000x128xf32, #tpu.memory_space<hbm>> -> memref<20000x128xf32, #tpu.memory_space<hbm>>
    tpu.enqueue_indirect_dma source(%dma_start3A_6 : memref<20000x128xf32, #tpu.memory_space<hbm>>) target(%arg10 : memref<128x128xf32, #tpu.memory_space<vmem>>) offsets(%dma_start3A_3 : memref<128xi32, #tpu.memory_space<vmem>>) semaphore(%arg13 : memref<!tpu.dma_semaphore, #tpu.memory_space<semaphore_mem>>)
    %dma_start3A_7 = arith.constant 1 : i32
    %dma_start3A_8 = arith.constant 0 : i32
    %dma_start3A_9 = tpu.memref_slice %arg8[%dma_start3A_7, %dma_start3A_8] : memref<40x128xi32, #tpu.memory_space<vmem>> -> memref<1x128xi32, #tpu.memory_space<vmem>>
    %dma_start3A_10 = tpu.memref_squeeze %dma_start3A_9 : memref<1x128xi32, #tpu.memory_space<vmem>> -> memref<128xi32, #tpu.memory_space<vmem>>
    %dma_start3A_11 = arith.constant 0 : i32
    %dma_start3A_12 = arith.constant 0 : i32
    %dma_start3A_13 = tpu.memref_slice %arg2[%dma_start3A_11, %dma_start3A_12] : memref<20000x128xf32, #tpu.memory_space<hbm>> -> memref<20000x128xf32, #tpu.memory_space<hbm>>
    tpu.enqueue_indirect_dma source(%dma_start3A_13 : memref<20000x128xf32, #tpu.memory_space<hbm>>) target(%arg11 : memref<128x128xf32, #tpu.memory_space<vmem>>) offsets(%dma_start3A_10 : memref<128xi32, #tpu.memory_space<vmem>>) semaphore(%arg14 : memref<!tpu.dma_semaphore, #tpu.memory_space<semaphore_mem>>)
    %dma_wait3A = arith.constant 0 : i32
    %dma_wait3A_14 = arith.constant 0 : i32
    %dma_wait3A_15 = tpu.memref_slice %arg8[%dma_wait3A, %dma_wait3A_14] : memref<40x128xi32, #tpu.memory_space<vmem>> -> memref<1x128xi32, #tpu.memory_space<vmem>>
    %dma_wait3A_16 = tpu.memref_squeeze %dma_wait3A_15 : memref<1x128xi32, #tpu.memory_space<vmem>> -> memref<128xi32, #tpu.memory_space<vmem>>
    %dma_wait3A_17 = arith.constant 0 : i32
    %dma_wait3A_18 = arith.constant 0 : i32
    %dma_wait3A_19 = tpu.memref_slice %arg2[%dma_wait3A_17, %dma_wait3A_18] : memref<20000x128xf32, #tpu.memory_space<hbm>> -> memref<20000x128xf32, #tpu.memory_space<hbm>>
    tpu.wait_indirect_dma semaphore(%arg13 : memref<!tpu.dma_semaphore, #tpu.memory_space<semaphore_mem>>) src(%dma_wait3A_19 : memref<20000x128xf32, #tpu.memory_space<hbm>>) dst(%arg10 : memref<128x128xf32, #tpu.memory_space<vmem>>)
    %dma_start3A_20 = arith.constant 0 : i32
    %dma_start3A_21 = arith.constant 0 : i32
    %dma_start3A_22 = tpu.memref_slice %arg9[%dma_start3A_20, %dma_start3A_21] : memref<40x128xi32, #tpu.memory_space<vmem>> -> memref<1x128xi32, #tpu.memory_space<vmem>>
    %dma_start3A_23 = tpu.memref_squeeze %dma_start3A_22 : memref<1x128xi32, #tpu.memory_space<vmem>> -> memref<128xi32, #tpu.memory_space<vmem>>
    %dma_start3A_24 = arith.constant 0 : i32
    %dma_start3A_25 = arith.constant 0 : i32
    %dma_start3A_26 = tpu.memref_slice %arg12[%dma_start3A_24, %dma_start3A_25] : memref<10240x128xf32, #tpu.memory_space<vmem_shared>> -> memref<10240x128xf32, #tpu.memory_space<vmem_shared>>
    tpu.enqueue_indirect_dma source(%arg10 : memref<128x128xf32, #tpu.memory_space<vmem>>) target(%dma_start3A_26 : memref<10240x128xf32, #tpu.memory_space<vmem_shared>>) offsets(%dma_start3A_23 : memref<128xi32, #tpu.memory_space<vmem>>) semaphore(%arg15 : memref<!tpu.dma_semaphore, #tpu.memory_space<semaphore_mem>>) {add = true}
    %scan3A = arith.constant 0 : i32
    %scan3A_27 = arith.constant 19 : i32
    %scan3A_28 = arith.addi %scan3A, %scan3A_27 : i32
    %scan3A_29 = arith.constant 1 : i32
    scf.for %scan3A_128 = %scan3A to %scan3A_28 step %scan3A_29  : i32 {
      %mul3A_129 = arith.constant 1 : i32
      %mul3A_130 = arith.muli %scan3A_128, %mul3A_129 : i32
      %add3A = arith.constant 0 : i32
      %add3A_131 = arith.addi %add3A, %mul3A_130 : i32
      %mul3A_132 = arith.constant 2 : i32
      %mul3A_133 = arith.muli %mul3A_132, %add3A_131 : i32
      %add3A_134 = arith.constant 1 : i32
      %add3A_135 = arith.addi %mul3A_133, %add3A_134 : i32
      %dma_wait3A_136 = arith.constant 0 : i32
      %dma_wait3A_137 = tpu.memref_slice %arg8[%add3A_135, %dma_wait3A_136] : memref<40x128xi32, #tpu.memory_space<vmem>> -> memref<1x128xi32, #tpu.memory_space<vmem>>
      %dma_wait3A_138 = tpu.memref_squeeze %dma_wait3A_137 : memref<1x128xi32, #tpu.memory_space<vmem>> -> memref<128xi32, #tpu.memory_space<vmem>>
      %dma_wait3A_139 = arith.constant 0 : i32
      %dma_wait3A_140 = arith.constant 0 : i32
      %dma_wait3A_141 = tpu.memref_slice %arg2[%dma_wait3A_139, %dma_wait3A_140] : memref<20000x128xf32, #tpu.memory_space<hbm>> -> memref<20000x128xf32, #tpu.memory_space<hbm>>
      tpu.wait_indirect_dma semaphore(%arg14 : memref<!tpu.dma_semaphore, #tpu.memory_space<semaphore_mem>>) src(%dma_wait3A_141 : memref<20000x128xf32, #tpu.memory_space<hbm>>) dst(%arg11 : memref<128x128xf32, #tpu.memory_space<vmem>>)
      %dma_wait3A_142 = arith.constant 0 : i32
      %dma_wait3A_143 = tpu.memref_slice %arg9[%mul3A_133, %dma_wait3A_142] : memref<40x128xi32, #tpu.memory_space<vmem>> -> memref<1x128xi32, #tpu.memory_space<vmem>>
      %dma_wait3A_144 = tpu.memref_squeeze %dma_wait3A_143 : memref<1x128xi32, #tpu.memory_space<vmem>> -> memref<128xi32, #tpu.memory_space<vmem>>
      %dma_wait3A_145 = arith.constant 0 : i32
      %dma_wait3A_146 = arith.constant 0 : i32
      %dma_wait3A_147 = tpu.memref_slice %arg12[%dma_wait3A_145, %dma_wait3A_146] : memref<10240x128xf32, #tpu.memory_space<vmem_shared>> -> memref<10240x128xf32, #tpu.memory_space<vmem_shared>>
      tpu.wait_indirect_dma semaphore(%arg15 : memref<!tpu.dma_semaphore, #tpu.memory_space<semaphore_mem>>) src(%arg10 : memref<128x128xf32, #tpu.memory_space<vmem>>) dst(%dma_wait3A_147 : memref<10240x128xf32, #tpu.memory_space<vmem_shared>>)
      %add3A_148 = arith.constant 2 : i32
      %add3A_149 = arith.addi %mul3A_133, %add3A_148 : i32
      %dma_start3A_150 = arith.constant 0 : i32
      %dma_start3A_151 = tpu.memref_slice %arg8[%add3A_149, %dma_start3A_150] : memref<40x128xi32, #tpu.memory_space<vmem>> -> memref<1x128xi32, #tpu.memory_space<vmem>>
      %dma_start3A_152 = tpu.memref_squeeze %dma_start3A_151 : memref<1x128xi32, #tpu.memory_space<vmem>> -> memref<128xi32, #tpu.memory_space<vmem>>
      %dma_start3A_153 = arith.constant 0 : i32
      %dma_start3A_154 = arith.constant 0 : i32
      %dma_start3A_155 = tpu.memref_slice %arg2[%dma_start3A_153, %dma_start3A_154] : memref<20000x128xf32, #tpu.memory_space<hbm>> -> memref<20000x128xf32, #tpu.memory_space<hbm>>
      tpu.enqueue_indirect_dma source(%dma_start3A_155 : memref<20000x128xf32, #tpu.memory_space<hbm>>) target(%arg10 : memref<128x128xf32, #tpu.memory_space<vmem>>) offsets(%dma_start3A_152 : memref<128xi32, #tpu.memory_space<vmem>>) semaphore(%arg13 : memref<!tpu.dma_semaphore, #tpu.memory_space<semaphore_mem>>)
      %add3A_156 = arith.constant 1 : i32
      %add3A_157 = arith.addi %mul3A_133, %add3A_156 : i32
      %dma_start3A_158 = arith.constant 0 : i32
      %dma_start3A_159 = tpu.memref_slice %arg9[%add3A_157, %dma_start3A_158] : memref<40x128xi32, #tpu.memory_space<vmem>> -> memref<1x128xi32, #tpu.memory_space<vmem>>
      %dma_start3A_160 = tpu.memref_squeeze %dma_start3A_159 : memref<1x128xi32, #tpu.memory_space<vmem>> -> memref<128xi32, #tpu.memory_space<vmem>>
      %dma_start3A_161 = arith.constant 0 : i32
      %dma_start3A_162 = arith.constant 0 : i32
      %dma_start3A_163 = tpu.memref_slice %arg12[%dma_start3A_161, %dma_start3A_162] : memref<10240x128xf32, #tpu.memory_space<vmem_shared>> -> memref<10240x128xf32, #tpu.memory_space<vmem_shared>>
      tpu.enqueue_indirect_dma source(%arg11 : memref<128x128xf32, #tpu.memory_space<vmem>>) target(%dma_start3A_163 : memref<10240x128xf32, #tpu.memory_space<vmem_shared>>) offsets(%dma_start3A_160 : memref<128xi32, #tpu.memory_space<vmem>>) semaphore(%arg16 : memref<!tpu.dma_semaphore, #tpu.memory_space<semaphore_mem>>) {add = true}
      %add3A_164 = arith.constant 2 : i32
      %add3A_165 = arith.addi %mul3A_133, %add3A_164 : i32
      %dma_wait3A_166 = arith.constant 0 : i32
      %dma_wait3A_167 = tpu.memref_slice %arg8[%add3A_165, %dma_wait3A_166] : memref<40x128xi32, #tpu.memory_space<vmem>> -> memref<1x128xi32, #tpu.memory_space<vmem>>
      %dma_wait3A_168 = tpu.memref_squeeze %dma_wait3A_167 : memref<1x128xi32, #tpu.memory_space<vmem>> -> memref<128xi32, #tpu.memory_space<vmem>>
      %dma_wait3A_169 = arith.constant 0 : i32
      %dma_wait3A_170 = arith.constant 0 : i32
      %dma_wait3A_171 = tpu.memref_slice %arg2[%dma_wait3A_169, %dma_wait3A_170] : memref<20000x128xf32, #tpu.memory_space<hbm>> -> memref<20000x128xf32, #tpu.memory_space<hbm>>
      tpu.wait_indirect_dma semaphore(%arg13 : memref<!tpu.dma_semaphore, #tpu.memory_space<semaphore_mem>>) src(%dma_wait3A_171 : memref<20000x128xf32, #tpu.memory_space<hbm>>) dst(%arg10 : memref<128x128xf32, #tpu.memory_space<vmem>>)
      %add3A_172 = arith.constant 1 : i32
      %add3A_173 = arith.addi %mul3A_133, %add3A_172 : i32
      %dma_wait3A_174 = arith.constant 0 : i32
      %dma_wait3A_175 = tpu.memref_slice %arg9[%add3A_173, %dma_wait3A_174] : memref<40x128xi32, #tpu.memory_space<vmem>> -> memref<1x128xi32, #tpu.memory_space<vmem>>
      %dma_wait3A_176 = tpu.memref_squeeze %dma_wait3A_175 : memref<1x128xi32, #tpu.memory_space<vmem>> -> memref<128xi32, #tpu.memory_space<vmem>>
      %dma_wait3A_177 = arith.constant 0 : i32
      %dma_wait3A_178 = arith.constant 0 : i32
      %dma_wait3A_179 = tpu.memref_slice %arg12[%dma_wait3A_177, %dma_wait3A_178] : memref<10240x128xf32, #tpu.memory_space<vmem_shared>> -> memref<10240x128xf32, #tpu.memory_space<vmem_shared>>
      tpu.wait_indirect_dma semaphore(%arg16 : memref<!tpu.dma_semaphore, #tpu.memory_space<semaphore_mem>>) src(%arg11 : memref<128x128xf32, #tpu.memory_space<vmem>>) dst(%dma_wait3A_179 : memref<10240x128xf32, #tpu.memory_space<vmem_shared>>)
      %add3A_180 = arith.constant 3 : i32
      %add3A_181 = arith.addi %mul3A_133, %add3A_180 : i32
      %dma_start3A_182 = arith.constant 0 : i32
      %dma_start3A_183 = tpu.memref_slice %arg8[%add3A_181, %dma_start3A_182] : memref<40x128xi32, #tpu.memory_space<vmem>> -> memref<1x128xi32, #tpu.memory_space<vmem>>
      %dma_start3A_184 = tpu.memref_squeeze %dma_start3A_183 : memref<1x128xi32, #tpu.memory_space<vmem>> -> memref<128xi32, #tpu.memory_space<vmem>>
      %dma_start3A_185 = arith.constant 0 : i32
      %dma_start3A_186 = arith.constant 0 : i32
      %dma_start3A_187 = tpu.memref_slice %arg2[%dma_start3A_185, %dma_start3A_186] : memref<20000x128xf32, #tpu.memory_space<hbm>> -> memref<20000x128xf32, #tpu.memory_space<hbm>>
      tpu.enqueue_indirect_dma source(%dma_start3A_187 : memref<20000x128xf32, #tpu.memory_space<hbm>>) target(%arg11 : memref<128x128xf32, #tpu.memory_space<vmem>>) offsets(%dma_start3A_184 : memref<128xi32, #tpu.memory_space<vmem>>) semaphore(%arg14 : memref<!tpu.dma_semaphore, #tpu.memory_space<semaphore_mem>>)
      %add3A_188 = arith.constant 2 : i32
      %add3A_189 = arith.addi %mul3A_133, %add3A_188 : i32
      %dma_start3A_190 = arith.constant 0 : i32
      %dma_start3A_191 = tpu.memref_slice %arg9[%add3A_189, %dma_start3A_190] : memref<40x128xi32, #tpu.memory_space<vmem>> -> memref<1x128xi32, #tpu.memory_space<vmem>>
      %dma_start3A_192 = tpu.memref_squeeze %dma_start3A_191 : memref<1x128xi32, #tpu.memory_space<vmem>> -> memref<128xi32, #tpu.memory_space<vmem>>
      %dma_start3A_193 = arith.constant 0 : i32
      %dma_start3A_194 = arith.constant 0 : i32
      %dma_start3A_195 = tpu.memref_slice %arg12[%dma_start3A_193, %dma_start3A_194] : memref<10240x128xf32, #tpu.memory_space<vmem_shared>> -> memref<10240x128xf32, #tpu.memory_space<vmem_shared>>
      tpu.enqueue_indirect_dma source(%arg10 : memref<128x128xf32, #tpu.memory_space<vmem>>) target(%dma_start3A_195 : memref<10240x128xf32, #tpu.memory_space<vmem_shared>>) offsets(%dma_start3A_192 : memref<128xi32, #tpu.memory_space<vmem>>) semaphore(%arg15 : memref<!tpu.dma_semaphore, #tpu.memory_space<semaphore_mem>>) {add = true}
    }
    %scan3A_30 = arith.constant 19 : i32
    %dma_wait3A_31 = arith.constant 39 : i32
    %dma_wait3A_32 = arith.constant 0 : i32
    %dma_wait3A_33 = tpu.memref_slice %arg8[%dma_wait3A_31, %dma_wait3A_32] : memref<40x128xi32, #tpu.memory_space<vmem>> -> memref<1x128xi32, #tpu.memory_space<vmem>>
    %dma_wait3A_34 = tpu.memref_squeeze %dma_wait3A_33 : memref<1x128xi32, #tpu.memory_space<vmem>> -> memref<128xi32, #tpu.memory_space<vmem>>
    %dma_wait3A_35 = arith.constant 0 : i32
    %dma_wait3A_36 = arith.constant 0 : i32
    %dma_wait3A_37 = tpu.memref_slice %arg2[%dma_wait3A_35, %dma_wait3A_36] : memref<20000x128xf32, #tpu.memory_space<hbm>> -> memref<20000x128xf32, #tpu.memory_space<hbm>>
    tpu.wait_indirect_dma semaphore(%arg14 : memref<!tpu.dma_semaphore, #tpu.memory_space<semaphore_mem>>) src(%dma_wait3A_37 : memref<20000x128xf32, #tpu.memory_space<hbm>>) dst(%arg11 : memref<128x128xf32, #tpu.memory_space<vmem>>)
    %dma_wait3A_38 = arith.constant 38 : i32
    %dma_wait3A_39 = arith.constant 0 : i32
    %dma_wait3A_40 = tpu.memref_slice %arg9[%dma_wait3A_38, %dma_wait3A_39] : memref<40x128xi32, #tpu.memory_space<vmem>> -> memref<1x128xi32, #tpu.memory_space<vmem>>
    %dma_wait3A_41 = tpu.memref_squeeze %dma_wait3A_40 : memref<1x128xi32, #tpu.memory_space<vmem>> -> memref<128xi32, #tpu.memory_space<vmem>>
    %dma_wait3A_42 = arith.constant 0 : i32
    %dma_wait3A_43 = arith.constant 0 : i32
    %dma_wait3A_44 = tpu.memref_slice %arg12[%dma_wait3A_42, %dma_wait3A_43] : memref<10240x128xf32, #tpu.memory_space<vmem_shared>> -> memref<10240x128xf32, #tpu.memory_space<vmem_shared>>
    tpu.wait_indirect_dma semaphore(%arg15 : memref<!tpu.dma_semaphore, #tpu.memory_space<semaphore_mem>>) src(%arg10 : memref<128x128xf32, #tpu.memory_space<vmem>>) dst(%dma_wait3A_44 : memref<10240x128xf32, #tpu.memory_space<vmem_shared>>)
    %dma_start3A_45 = arith.constant 39 : i32
    %dma_start3A_46 = arith.constant 0 : i32
    %dma_start3A_47 = tpu.memref_slice %arg9[%dma_start3A_45, %dma_start3A_46] : memref<40x128xi32, #tpu.memory_space<vmem>> -> memref<1x128xi32, #tpu.memory_space<vmem>>
    %dma_start3A_48 = tpu.memref_squeeze %dma_start3A_47 : memref<1x128xi32, #tpu.memory_space<vmem>> -> memref<128xi32, #tpu.memory_space<vmem>>
    %dma_start3A_49 = arith.constant 0 : i32
    %dma_start3A_50 = arith.constant 0 : i32
    %dma_start3A_51 = tpu.memref_slice %arg12[%dma_start3A_49, %dma_start3A_50] : memref<10240x128xf32, #tpu.memory_space<vmem_shared>> -> memref<10240x128xf32, #tpu.memory_space<vmem_shared>>
    tpu.enqueue_indirect_dma source(%arg11 : memref<128x128xf32, #tpu.memory_space<vmem>>) target(%dma_start3A_51 : memref<10240x128xf32, #tpu.memory_space<vmem_shared>>) offsets(%dma_start3A_48 : memref<128xi32, #tpu.memory_space<vmem>>) semaphore(%arg16 : memref<!tpu.dma_semaphore, #tpu.memory_space<semaphore_mem>>) {add = true}
    %dma_wait3A_52 = arith.constant 39 : i32
    %dma_wait3A_53 = arith.constant 0 : i32
    %dma_wait3A_54 = tpu.memref_slice %arg9[%dma_wait3A_52, %dma_wait3A_53] : memref<40x128xi32, #tpu.memory_space<vmem>> -> memref<1x128xi32, #tpu.memory_space<vmem>>
    %dma_wait3A_55 = tpu.memref_squeeze %dma_wait3A_54 : memref<1x128xi32, #tpu.memory_space<vmem>> -> memref<128xi32, #tpu.memory_space<vmem>>
    %dma_wait3A_56 = arith.constant 0 : i32
    %dma_wait3A_57 = arith.constant 0 : i32
    %dma_wait3A_58 = tpu.memref_slice %arg12[%dma_wait3A_56, %dma_wait3A_57] : memref<10240x128xf32, #tpu.memory_space<vmem_shared>> -> memref<10240x128xf32, #tpu.memory_space<vmem_shared>>
    tpu.wait_indirect_dma semaphore(%arg16 : memref<!tpu.dma_semaphore, #tpu.memory_space<semaphore_mem>>) src(%arg11 : memref<128x128xf32, #tpu.memory_space<vmem>>) dst(%dma_wait3A_58 : memref<10240x128xf32, #tpu.memory_space<vmem_shared>>)
    "tpu.region"() ({
      %run_scoped3A = tpu.sem_alloc : memref<!tpu.dma_semaphore, #tpu.memory_space<semaphore_mem>>
      %dma_start3A_128 = arith.constant 40 : i32
      %dma_start3A_129 = arith.constant 0 : i32
      %dma_start3A_130 = tpu.memref_slice %arg3[%arg0, %arg1, %dma_start3A_128, %dma_start3A_129] : memref<2x16x80x128xi32, #tpu.memory_space<hbm>> -> memref<1x1x40x128xi32, #tpu.memory_space<hbm>>
      %dma_start3A_131 = tpu.memref_squeeze %dma_start3A_130 : memref<1x1x40x128xi32, #tpu.memory_space<hbm>> -> memref<40x128xi32, #tpu.memory_space<hbm>>
      %dma_start3A_132 = arith.constant 40 : i32
      %dma_start3A_133 = arith.constant 0 : i32
      %dma_start3A_134 = tpu.memref_slice %arg3[%arg0, %arg1, %dma_start3A_132, %dma_start3A_133] : memref<2x16x80x128xi32, #tpu.memory_space<hbm>> -> memref<1x1x40x128xi32, #tpu.memory_space<hbm>>
      %dma_start3A_135 = tpu.memref_squeeze %dma_start3A_134 : memref<1x1x40x128xi32, #tpu.memory_space<hbm>> -> memref<40x128xi32, #tpu.memory_space<hbm>>
      tpu.enqueue_dma source(%dma_start3A_135 : memref<40x128xi32, #tpu.memory_space<hbm>>) target(%arg8 : memref<40x128xi32, #tpu.memory_space<vmem>>) target_semaphore(%run_scoped3A : memref<!tpu.dma_semaphore, #tpu.memory_space<semaphore_mem>>)
      %dma_wait3A_136 = arith.constant 40 : i32
      %dma_wait3A_137 = arith.constant 0 : i32
      %dma_wait3A_138 = tpu.memref_slice %arg3[%arg0, %arg1, %dma_wait3A_136, %dma_wait3A_137] : memref<2x16x80x128xi32, #tpu.memory_space<hbm>> -> memref<1x1x40x128xi32, #tpu.memory_space<hbm>>
      %dma_wait3A_139 = tpu.memref_squeeze %dma_wait3A_138 : memref<1x1x40x128xi32, #tpu.memory_space<hbm>> -> memref<40x128xi32, #tpu.memory_space<hbm>>
      %dma_wait3A_140 = arith.constant 40 : i32
      %dma_wait3A_141 = arith.constant 0 : i32
      %dma_wait3A_142 = tpu.memref_slice %arg3[%arg0, %arg1, %dma_wait3A_140, %dma_wait3A_141] : memref<2x16x80x128xi32, #tpu.memory_space<hbm>> -> memref<1x1x40x128xi32, #tpu.memory_space<hbm>>
      %dma_wait3A_143 = tpu.memref_squeeze %dma_wait3A_142 : memref<1x1x40x128xi32, #tpu.memory_space<hbm>> -> memref<40x128xi32, #tpu.memory_space<hbm>>
      tpu.wait_dma2 semaphore(%run_scoped3A : memref<!tpu.dma_semaphore, #tpu.memory_space<semaphore_mem>>) src(%dma_wait3A_143 : memref<40x128xi32, #tpu.memory_space<hbm>>) dst(%arg8 : memref<40x128xi32, #tpu.memory_space<vmem>>)
      tpu.yield
    }) : () -> ()
    "tpu.region"() ({
      %run_scoped3A = tpu.sem_alloc : memref<!tpu.dma_semaphore, #tpu.memory_space<semaphore_mem>>
      %dma_start3A_128 = arith.constant 40 : i32
      %dma_start3A_129 = arith.constant 0 : i32
      %dma_start3A_130 = tpu.memref_slice %arg4[%arg1, %dma_start3A_128, %dma_start3A_129] : memref<16x80x128xi32, #tpu.memory_space<hbm>> -> memref<1x40x128xi32, #tpu.memory_space<hbm>>
      %dma_start3A_131 = tpu.memref_squeeze %dma_start3A_130 : memref<1x40x128xi32, #tpu.memory_space<hbm>> -> memref<40x128xi32, #tpu.memory_space<hbm>>
      %dma_start3A_132 = arith.constant 40 : i32
      %dma_start3A_133 = arith.constant 0 : i32
      %dma_start3A_134 = tpu.memref_slice %arg4[%arg1, %dma_start3A_132, %dma_start3A_133] : memref<16x80x128xi32, #tpu.memory_space<hbm>> -> memref<1x40x128xi32, #tpu.memory_space<hbm>>
      %dma_start3A_135 = tpu.memref_squeeze %dma_start3A_134 : memref<1x40x128xi32, #tpu.memory_space<hbm>> -> memref<40x128xi32, #tpu.memory_space<hbm>>
      tpu.enqueue_dma source(%dma_start3A_135 : memref<40x128xi32, #tpu.memory_space<hbm>>) target(%arg9 : memref<40x128xi32, #tpu.memory_space<vmem>>) target_semaphore(%run_scoped3A : memref<!tpu.dma_semaphore, #tpu.memory_space<semaphore_mem>>)
      %dma_wait3A_136 = arith.constant 40 : i32
      %dma_wait3A_137 = arith.constant 0 : i32
      %dma_wait3A_138 = tpu.memref_slice %arg4[%arg1, %dma_wait3A_136, %dma_wait3A_137] : memref<16x80x128xi32, #tpu.memory_space<hbm>> -> memref<1x40x128xi32, #tpu.memory_space<hbm>>
      %dma_wait3A_139 = tpu.memref_squeeze %dma_wait3A_138 : memref<1x40x128xi32, #tpu.memory_space<hbm>> -> memref<40x128xi32, #tpu.memory_space<hbm>>
      %dma_wait3A_140 = arith.constant 40 : i32
      %dma_wait3A_141 = arith.constant 0 : i32
      %dma_wait3A_142 = tpu.memref_slice %arg4[%arg1, %dma_wait3A_140, %dma_wait3A_141] : memref<16x80x128xi32, #tpu.memory_space<hbm>> -> memref<1x40x128xi32, #tpu.memory_space<hbm>>
      %dma_wait3A_143 = tpu.memref_squeeze %dma_wait3A_142 : memref<1x40x128xi32, #tpu.memory_space<hbm>> -> memref<40x128xi32, #tpu.memory_space<hbm>>
      tpu.wait_dma2 semaphore(%run_scoped3A : memref<!tpu.dma_semaphore, #tpu.memory_space<semaphore_mem>>) src(%dma_wait3A_143 : memref<40x128xi32, #tpu.memory_space<hbm>>) dst(%arg9 : memref<40x128xi32, #tpu.memory_space<vmem>>)
      tpu.yield
    }) : () -> ()
    %dma_start3A_59 = arith.constant 0 : i32
    %dma_start3A_60 = arith.constant 0 : i32
    %dma_start3A_61 = tpu.memref_slice %arg8[%dma_start3A_59, %dma_start3A_60] : memref<40x128xi32, #tpu.memory_space<vmem>> -> memref<1x128xi32, #tpu.memory_space<vmem>>
    %dma_start3A_62 = tpu.memref_squeeze %dma_start3A_61 : memref<1x128xi32, #tpu.memory_space<vmem>> -> memref<128xi32, #tpu.memory_space<vmem>>
    %dma_start3A_63 = arith.constant 0 : i32
    %dma_start3A_64 = arith.constant 0 : i32
    %dma_start3A_65 = tpu.memref_slice %arg2[%dma_start3A_63, %dma_start3A_64] : memref<20000x128xf32, #tpu.memory_space<hbm>> -> memref<20000x128xf32, #tpu.memory_space<hbm>>
    tpu.enqueue_indirect_dma source(%dma_start3A_65 : memref<20000x128xf32, #tpu.memory_space<hbm>>) target(%arg10 : memref<128x128xf32, #tpu.memory_space<vmem>>) offsets(%dma_start3A_62 : memref<128xi32, #tpu.memory_space<vmem>>) semaphore(%arg13 : memref<!tpu.dma_semaphore, #tpu.memory_space<semaphore_mem>>)
    %dma_start3A_66 = arith.constant 1 : i32
    %dma_start3A_67 = arith.constant 0 : i32
    %dma_start3A_68 = tpu.memref_slice %arg8[%dma_start3A_66, %dma_start3A_67] : memref<40x128xi32, #tpu.memory_space<vmem>> -> memref<1x128xi32, #tpu.memory_space<vmem>>
    %dma_start3A_69 = tpu.memref_squeeze %dma_start3A_68 : memref<1x128xi32, #tpu.memory_space<vmem>> -> memref<128xi32, #tpu.memory_space<vmem>>
    %dma_start3A_70 = arith.constant 0 : i32
    %dma_start3A_71 = arith.constant 0 : i32
    %dma_start3A_72 = tpu.memref_slice %arg2[%dma_start3A_70, %dma_start3A_71] : memref<20000x128xf32, #tpu.memory_space<hbm>> -> memref<20000x128xf32, #tpu.memory_space<hbm>>
    tpu.enqueue_indirect_dma source(%dma_start3A_72 : memref<20000x128xf32, #tpu.memory_space<hbm>>) target(%arg11 : memref<128x128xf32, #tpu.memory_space<vmem>>) offsets(%dma_start3A_69 : memref<128xi32, #tpu.memory_space<vmem>>) semaphore(%arg14 : memref<!tpu.dma_semaphore, #tpu.memory_space<semaphore_mem>>)
    %dma_wait3A_73 = arith.constant 0 : i32
    %dma_wait3A_74 = arith.constant 0 : i32
    %dma_wait3A_75 = tpu.memref_slice %arg8[%dma_wait3A_73, %dma_wait3A_74] : memref<40x128xi32, #tpu.memory_space<vmem>> -> memref<1x128xi32, #tpu.memory_space<vmem>>
    %dma_wait3A_76 = tpu.memref_squeeze %dma_wait3A_75 : memref<1x128xi32, #tpu.memory_space<vmem>> -> memref<128xi32, #tpu.memory_space<vmem>>
    %dma_wait3A_77 = arith.constant 0 : i32
    %dma_wait3A_78 = arith.constant 0 : i32
    %dma_wait3A_79 = tpu.memref_slice %arg2[%dma_wait3A_77, %dma_wait3A_78] : memref<20000x128xf32, #tpu.memory_space<hbm>> -> memref<20000x128xf32, #tpu.memory_space<hbm>>
    tpu.wait_indirect_dma semaphore(%arg13 : memref<!tpu.dma_semaphore, #tpu.memory_space<semaphore_mem>>) src(%dma_wait3A_79 : memref<20000x128xf32, #tpu.memory_space<hbm>>) dst(%arg10 : memref<128x128xf32, #tpu.memory_space<vmem>>)
    %dma_start3A_80 = arith.constant 0 : i32
    %dma_start3A_81 = arith.constant 0 : i32
    %dma_start3A_82 = tpu.memref_slice %arg9[%dma_start3A_80, %dma_start3A_81] : memref<40x128xi32, #tpu.memory_space<vmem>> -> memref<1x128xi32, #tpu.memory_space<vmem>>
    %dma_start3A_83 = tpu.memref_squeeze %dma_start3A_82 : memref<1x128xi32, #tpu.memory_space<vmem>> -> memref<128xi32, #tpu.memory_space<vmem>>
    %dma_start3A_84 = arith.constant 0 : i32
    %dma_start3A_85 = arith.constant 0 : i32
    %dma_start3A_86 = tpu.memref_slice %arg12[%dma_start3A_84, %dma_start3A_85] : memref<10240x128xf32, #tpu.memory_space<vmem_shared>> -> memref<10240x128xf32, #tpu.memory_space<vmem_shared>>
    tpu.enqueue_indirect_dma source(%arg10 : memref<128x128xf32, #tpu.memory_space<vmem>>) target(%dma_start3A_86 : memref<10240x128xf32, #tpu.memory_space<vmem_shared>>) offsets(%dma_start3A_83 : memref<128xi32, #tpu.memory_space<vmem>>) semaphore(%arg15 : memref<!tpu.dma_semaphore, #tpu.memory_space<semaphore_mem>>) {add = true}
    %scan3A_87 = arith.constant 0 : i32
    %scan3A_88 = arith.constant 19 : i32
    %scan3A_89 = arith.addi %scan3A_87, %scan3A_88 : i32
    %scan3A_90 = arith.constant 1 : i32
    scf.for %scan3A_128 = %scan3A_87 to %scan3A_89 step %scan3A_90  : i32 {
      %mul3A_129 = arith.constant 1 : i32
      %mul3A_130 = arith.muli %scan3A_128, %mul3A_129 : i32
      %add3A = arith.constant 0 : i32
      %add3A_131 = arith.addi %add3A, %mul3A_130 : i32
      %mul3A_132 = arith.constant 2 : i32
      %mul3A_133 = arith.muli %mul3A_132, %add3A_131 : i32
      %add3A_134 = arith.constant 1 : i32
      %add3A_135 = arith.addi %mul3A_133, %add3A_134 : i32
      %dma_wait3A_136 = arith.constant 0 : i32
      %dma_wait3A_137 = tpu.memref_slice %arg8[%add3A_135, %dma_wait3A_136] : memref<40x128xi32, #tpu.memory_space<vmem>> -> memref<1x128xi32, #tpu.memory_space<vmem>>
      %dma_wait3A_138 = tpu.memref_squeeze %dma_wait3A_137 : memref<1x128xi32, #tpu.memory_space<vmem>> -> memref<128xi32, #tpu.memory_space<vmem>>
      %dma_wait3A_139 = arith.constant 0 : i32
      %dma_wait3A_140 = arith.constant 0 : i32
      %dma_wait3A_141 = tpu.memref_slice %arg2[%dma_wait3A_139, %dma_wait3A_140] : memref<20000x128xf32, #tpu.memory_space<hbm>> -> memref<20000x128xf32, #tpu.memory_space<hbm>>
      tpu.wait_indirect_dma semaphore(%arg14 : memref<!tpu.dma_semaphore, #tpu.memory_space<semaphore_mem>>) src(%dma_wait3A_141 : memref<20000x128xf32, #tpu.memory_space<hbm>>) dst(%arg11 : memref<128x128xf32, #tpu.memory_space<vmem>>)
      %dma_wait3A_142 = arith.constant 0 : i32
      %dma_wait3A_143 = tpu.memref_slice %arg9[%mul3A_133, %dma_wait3A_142] : memref<40x128xi32, #tpu.memory_space<vmem>> -> memref<1x128xi32, #tpu.memory_space<vmem>>
      %dma_wait3A_144 = tpu.memref_squeeze %dma_wait3A_143 : memref<1x128xi32, #tpu.memory_space<vmem>> -> memref<128xi32, #tpu.memory_space<vmem>>
      %dma_wait3A_145 = arith.constant 0 : i32
      %dma_wait3A_146 = arith.constant 0 : i32
      %dma_wait3A_147 = tpu.memref_slice %arg12[%dma_wait3A_145, %dma_wait3A_146] : memref<10240x128xf32, #tpu.memory_space<vmem_shared>> -> memref<10240x128xf32, #tpu.memory_space<vmem_shared>>
      tpu.wait_indirect_dma semaphore(%arg15 : memref<!tpu.dma_semaphore, #tpu.memory_space<semaphore_mem>>) src(%arg10 : memref<128x128xf32, #tpu.memory_space<vmem>>) dst(%dma_wait3A_147 : memref<10240x128xf32, #tpu.memory_space<vmem_shared>>)
      %add3A_148 = arith.constant 2 : i32
      %add3A_149 = arith.addi %mul3A_133, %add3A_148 : i32
      %dma_start3A_150 = arith.constant 0 : i32
      %dma_start3A_151 = tpu.memref_slice %arg8[%add3A_149, %dma_start3A_150] : memref<40x128xi32, #tpu.memory_space<vmem>> -> memref<1x128xi32, #tpu.memory_space<vmem>>
      %dma_start3A_152 = tpu.memref_squeeze %dma_start3A_151 : memref<1x128xi32, #tpu.memory_space<vmem>> -> memref<128xi32, #tpu.memory_space<vmem>>
      %dma_start3A_153 = arith.constant 0 : i32
      %dma_start3A_154 = arith.constant 0 : i32
      %dma_start3A_155 = tpu.memref_slice %arg2[%dma_start3A_153, %dma_start3A_154] : memref<20000x128xf32, #tpu.memory_space<hbm>> -> memref<20000x128xf32, #tpu.memory_space<hbm>>
      tpu.enqueue_indirect_dma source(%dma_start3A_155 : memref<20000x128xf32, #tpu.memory_space<hbm>>) target(%arg10 : memref<128x128xf32, #tpu.memory_space<vmem>>) offsets(%dma_start3A_152 : memref<128xi32, #tpu.memory_space<vmem>>) semaphore(%arg13 : memref<!tpu.dma_semaphore, #tpu.memory_space<semaphore_mem>>)
      %add3A_156 = arith.constant 1 : i32
      %add3A_157 = arith.addi %mul3A_133, %add3A_156 : i32
      %dma_start3A_158 = arith.constant 0 : i32
      %dma_start3A_159 = tpu.memref_slice %arg9[%add3A_157, %dma_start3A_158] : memref<40x128xi32, #tpu.memory_space<vmem>> -> memref<1x128xi32, #tpu.memory_space<vmem>>
      %dma_start3A_160 = tpu.memref_squeeze %dma_start3A_159 : memref<1x128xi32, #tpu.memory_space<vmem>> -> memref<128xi32, #tpu.memory_space<vmem>>
      %dma_start3A_161 = arith.constant 0 : i32
      %dma_start3A_162 = arith.constant 0 : i32
      %dma_start3A_163 = tpu.memref_slice %arg12[%dma_start3A_161, %dma_start3A_162] : memref<10240x128xf32, #tpu.memory_space<vmem_shared>> -> memref<10240x128xf32, #tpu.memory_space<vmem_shared>>
      tpu.enqueue_indirect_dma source(%arg11 : memref<128x128xf32, #tpu.memory_space<vmem>>) target(%dma_start3A_163 : memref<10240x128xf32, #tpu.memory_space<vmem_shared>>) offsets(%dma_start3A_160 : memref<128xi32, #tpu.memory_space<vmem>>) semaphore(%arg16 : memref<!tpu.dma_semaphore, #tpu.memory_space<semaphore_mem>>) {add = true}
      %add3A_164 = arith.constant 2 : i32
      %add3A_165 = arith.addi %mul3A_133, %add3A_164 : i32
      %dma_wait3A_166 = arith.constant 0 : i32
      %dma_wait3A_167 = tpu.memref_slice %arg8[%add3A_165, %dma_wait3A_166] : memref<40x128xi32, #tpu.memory_space<vmem>> -> memref<1x128xi32, #tpu.memory_space<vmem>>
      %dma_wait3A_168 = tpu.memref_squeeze %dma_wait3A_167 : memref<1x128xi32, #tpu.memory_space<vmem>> -> memref<128xi32, #tpu.memory_space<vmem>>
      %dma_wait3A_169 = arith.constant 0 : i32
      %dma_wait3A_170 = arith.constant 0 : i32
      %dma_wait3A_171 = tpu.memref_slice %arg2[%dma_wait3A_169, %dma_wait3A_170] : memref<20000x128xf32, #tpu.memory_space<hbm>> -> memref<20000x128xf32, #tpu.memory_space<hbm>>
      tpu.wait_indirect_dma semaphore(%arg13 : memref<!tpu.dma_semaphore, #tpu.memory_space<semaphore_mem>>) src(%dma_wait3A_171 : memref<20000x128xf32, #tpu.memory_space<hbm>>) dst(%arg10 : memref<128x128xf32, #tpu.memory_space<vmem>>)
      %add3A_172 = arith.constant 1 : i32
      %add3A_173 = arith.addi %mul3A_133, %add3A_172 : i32
      %dma_wait3A_174 = arith.constant 0 : i32
      %dma_wait3A_175 = tpu.memref_slice %arg9[%add3A_173, %dma_wait3A_174] : memref<40x128xi32, #tpu.memory_space<vmem>> -> memref<1x128xi32, #tpu.memory_space<vmem>>
      %dma_wait3A_176 = tpu.memref_squeeze %dma_wait3A_175 : memref<1x128xi32, #tpu.memory_space<vmem>> -> memref<128xi32, #tpu.memory_space<vmem>>
      %dma_wait3A_177 = arith.constant 0 : i32
      %dma_wait3A_178 = arith.constant 0 : i32
      %dma_wait3A_179 = tpu.memref_slice %arg12[%dma_wait3A_177, %dma_wait3A_178] : memref<10240x128xf32, #tpu.memory_space<vmem_shared>> -> memref<10240x128xf32, #tpu.memory_space<vmem_shared>>
      tpu.wait_indirect_dma semaphore(%arg16 : memref<!tpu.dma_semaphore, #tpu.memory_space<semaphore_mem>>) src(%arg11 : memref<128x128xf32, #tpu.memory_space<vmem>>) dst(%dma_wait3A_179 : memref<10240x128xf32, #tpu.memory_space<vmem_shared>>)
      %add3A_180 = arith.constant 3 : i32
      %add3A_181 = arith.addi %mul3A_133, %add3A_180 : i32
      %dma_start3A_182 = arith.constant 0 : i32
      %dma_start3A_183 = tpu.memref_slice %arg8[%add3A_181, %dma_start3A_182] : memref<40x128xi32, #tpu.memory_space<vmem>> -> memref<1x128xi32, #tpu.memory_space<vmem>>
      %dma_start3A_184 = tpu.memref_squeeze %dma_start3A_183 : memref<1x128xi32, #tpu.memory_space<vmem>> -> memref<128xi32, #tpu.memory_space<vmem>>
      %dma_start3A_185 = arith.constant 0 : i32
      %dma_start3A_186 = arith.constant 0 : i32
      %dma_start3A_187 = tpu.memref_slice %arg2[%dma_start3A_185, %dma_start3A_186] : memref<20000x128xf32, #tpu.memory_space<hbm>> -> memref<20000x128xf32, #tpu.memory_space<hbm>>
      tpu.enqueue_indirect_dma source(%dma_start3A_187 : memref<20000x128xf32, #tpu.memory_space<hbm>>) target(%arg11 : memref<128x128xf32, #tpu.memory_space<vmem>>) offsets(%dma_start3A_184 : memref<128xi32, #tpu.memory_space<vmem>>) semaphore(%arg14 : memref<!tpu.dma_semaphore, #tpu.memory_space<semaphore_mem>>)
      %add3A_188 = arith.constant 2 : i32
      %add3A_189 = arith.addi %mul3A_133, %add3A_188 : i32
      %dma_start3A_190 = arith.constant 0 : i32
      %dma_start3A_191 = tpu.memref_slice %arg9[%add3A_189, %dma_start3A_190] : memref<40x128xi32, #tpu.memory_space<vmem>> -> memref<1x128xi32, #tpu.memory_space<vmem>>
      %dma_start3A_192 = tpu.memref_squeeze %dma_start3A_191 : memref<1x128xi32, #tpu.memory_space<vmem>> -> memref<128xi32, #tpu.memory_space<vmem>>
      %dma_start3A_193 = arith.constant 0 : i32
      %dma_start3A_194 = arith.constant 0 : i32
      %dma_start3A_195 = tpu.memref_slice %arg12[%dma_start3A_193, %dma_start3A_194] : memref<10240x128xf32, #tpu.memory_space<vmem_shared>> -> memref<10240x128xf32, #tpu.memory_space<vmem_shared>>
      tpu.enqueue_indirect_dma source(%arg10 : memref<128x128xf32, #tpu.memory_space<vmem>>) target(%dma_start3A_195 : memref<10240x128xf32, #tpu.memory_space<vmem_shared>>) offsets(%dma_start3A_192 : memref<128xi32, #tpu.memory_space<vmem>>) semaphore(%arg15 : memref<!tpu.dma_semaphore, #tpu.memory_space<semaphore_mem>>) {add = true}
    }
    %scan3A_91 = arith.constant 19 : i32
    %dma_wait3A_92 = arith.constant 39 : i32
    %dma_wait3A_93 = arith.constant 0 : i32
    %dma_wait3A_94 = tpu.memref_slice %arg8[%dma_wait3A_92, %dma_wait3A_93] : memref<40x128xi32, #tpu.memory_space<vmem>> -> memref<1x128xi32, #tpu.memory_space<vmem>>
    %dma_wait3A_95 = tpu.memref_squeeze %dma_wait3A_94 : memref<1x128xi32, #tpu.memory_space<vmem>> -> memref<128xi32, #tpu.memory_space<vmem>>
    %dma_wait3A_96 = arith.constant 0 : i32
    %dma_wait3A_97 = arith.constant 0 : i32
    %dma_wait3A_98 = tpu.memref_slice %arg2[%dma_wait3A_96, %dma_wait3A_97] : memref<20000x128xf32, #tpu.memory_space<hbm>> -> memref<20000x128xf32, #tpu.memory_space<hbm>>
    tpu.wait_indirect_dma semaphore(%arg14 : memref<!tpu.dma_semaphore, #tpu.memory_space<semaphore_mem>>) src(%dma_wait3A_98 : memref<20000x128xf32, #tpu.memory_space<hbm>>) dst(%arg11 : memref<128x128xf32, #tpu.memory_space<vmem>>)
    %dma_wait3A_99 = arith.constant 38 : i32
    %dma_wait3A_100 = arith.constant 0 : i32
    %dma_wait3A_101 = tpu.memref_slice %arg9[%dma_wait3A_99, %dma_wait3A_100] : memref<40x128xi32, #tpu.memory_space<vmem>> -> memref<1x128xi32, #tpu.memory_space<vmem>>
    %dma_wait3A_102 = tpu.memref_squeeze %dma_wait3A_101 : memref<1x128xi32, #tpu.memory_space<vmem>> -> memref<128xi32, #tpu.memory_space<vmem>>
    %dma_wait3A_103 = arith.constant 0 : i32
    %dma_wait3A_104 = arith.constant 0 : i32
    %dma_wait3A_105 = tpu.memref_slice %arg12[%dma_wait3A_103, %dma_wait3A_104] : memref<10240x128xf32, #tpu.memory_space<vmem_shared>> -> memref<10240x128xf32, #tpu.memory_space<vmem_shared>>
    tpu.wait_indirect_dma semaphore(%arg15 : memref<!tpu.dma_semaphore, #tpu.memory_space<semaphore_mem>>) src(%arg10 : memref<128x128xf32, #tpu.memory_space<vmem>>) dst(%dma_wait3A_105 : memref<10240x128xf32, #tpu.memory_space<vmem_shared>>)
    %dma_start3A_106 = arith.constant 39 : i32
    %dma_start3A_107 = arith.constant 0 : i32
    %dma_start3A_108 = tpu.memref_slice %arg9[%dma_start3A_106, %dma_start3A_107] : memref<40x128xi32, #tpu.memory_space<vmem>> -> memref<1x128xi32, #tpu.memory_space<vmem>>
    %dma_start3A_109 = tpu.memref_squeeze %dma_start3A_108 : memref<1x128xi32, #tpu.memory_space<vmem>> -> memref<128xi32, #tpu.memory_space<vmem>>
    %dma_start3A_110 = arith.constant 0 : i32
    %dma_start3A_111 = arith.constant 0 : i32
    %dma_start3A_112 = tpu.memref_slice %arg12[%dma_start3A_110, %dma_start3A_111] : memref<10240x128xf32, #tpu.memory_space<vmem_shared>> -> memref<10240x128xf32, #tpu.memory_space<vmem_shared>>
    tpu.enqueue_indirect_dma source(%arg11 : memref<128x128xf32, #tpu.memory_space<vmem>>) target(%dma_start3A_112 : memref<10240x128xf32, #tpu.memory_space<vmem_shared>>) offsets(%dma_start3A_109 : memref<128xi32, #tpu.memory_space<vmem>>) semaphore(%arg16 : memref<!tpu.dma_semaphore, #tpu.memory_space<semaphore_mem>>) {add = true}
    %dma_wait3A_113 = arith.constant 39 : i32
    %dma_wait3A_114 = arith.constant 0 : i32
    %dma_wait3A_115 = tpu.memref_slice %arg9[%dma_wait3A_113, %dma_wait3A_114] : memref<40x128xi32, #tpu.memory_space<vmem>> -> memref<1x128xi32, #tpu.memory_space<vmem>>
    %dma_wait3A_116 = tpu.memref_squeeze %dma_wait3A_115 : memref<1x128xi32, #tpu.memory_space<vmem>> -> memref<128xi32, #tpu.memory_space<vmem>>
    %dma_wait3A_117 = arith.constant 0 : i32
    %dma_wait3A_118 = arith.constant 0 : i32
    %dma_wait3A_119 = tpu.memref_slice %arg12[%dma_wait3A_117, %dma_wait3A_118] : memref<10240x128xf32, #tpu.memory_space<vmem_shared>> -> memref<10240x128xf32, #tpu.memory_space<vmem_shared>>
    tpu.wait_indirect_dma semaphore(%arg16 : memref<!tpu.dma_semaphore, #tpu.memory_space<semaphore_mem>>) src(%arg11 : memref<128x128xf32, #tpu.memory_space<vmem>>) dst(%dma_wait3A_119 : memref<10240x128xf32, #tpu.memory_space<vmem_shared>>)
    %barrier3A_120 = arith.constant 0 : index
    tpu.barrier barrier_id(%barrier3A_120)
    %eq3A = arith.constant 0 : i32
    %eq3A_121 = arith.cmpi eq, %arg0, %eq3A : i32
    %convert_element_type3A = arith.extui %eq3A_121 : i1 to i32
    %cond3A = arith.constant 0 : i32
    %cond3A_122 = arith.cmpi ne, %convert_element_type3A, %cond3A : i32
    scf.if %cond3A_122 {
      %mul3A_128 = arith.constant 640 : i32
      %mul3A_129 = arith.muli %arg1, %mul3A_128 : i32
      "tpu.region"() ({
        %run_scoped3A = tpu.sem_alloc : memref<!tpu.dma_semaphore, #tpu.memory_space<semaphore_mem>>
        %dma_start3A_130 = arith.constant 0 : i32
        %dma_start3A_131 = tpu.memref_slice %arg6[%mul3A_129, %dma_start3A_130] : memref<10240x128xf32, #tpu.memory_space<hbm>> -> memref<640x128xf32, #tpu.memory_space<hbm>>
        %dma_start3A_132 = arith.constant 0 : i32
        %dma_start3A_133 = tpu.memref_slice %arg12[%mul3A_129, %dma_start3A_132] : memref<10240x128xf32, #tpu.memory_space<vmem_shared>> -> memref<640x128xf32, #tpu.memory_space<vmem_shared>>
        tpu.enqueue_dma source(%dma_start3A_133 : memref<640x128xf32, #tpu.memory_space<vmem_shared>>) target(%dma_start3A_131 : memref<640x128xf32, #tpu.memory_space<hbm>>) target_semaphore(%run_scoped3A : memref<!tpu.dma_semaphore, #tpu.memory_space<semaphore_mem>>)
        %dma_wait3A_134 = arith.constant 0 : i32
        %dma_wait3A_135 = tpu.memref_slice %arg6[%mul3A_129, %dma_wait3A_134] : memref<10240x128xf32, #tpu.memory_space<hbm>> -> memref<640x128xf32, #tpu.memory_space<hbm>>
        %dma_wait3A_136 = arith.constant 0 : i32
        %dma_wait3A_137 = tpu.memref_slice %arg12[%mul3A_129, %dma_wait3A_136] : memref<10240x128xf32, #tpu.memory_space<vmem_shared>> -> memref<640x128xf32, #tpu.memory_space<vmem_shared>>
        tpu.wait_dma2 semaphore(%run_scoped3A : memref<!tpu.dma_semaphore, #tpu.memory_space<semaphore_mem>>) src(%dma_wait3A_137 : memref<640x128xf32, #tpu.memory_space<vmem_shared>>) dst(%dma_wait3A_135 : memref<640x128xf32, #tpu.memory_space<hbm>>)
        tpu.yield
      }) : () -> ()
    } else {
    }
    %eq3A_123 = arith.constant 1 : i32
    %eq3A_124 = arith.cmpi eq, %arg0, %eq3A_123 : i32
    %convert_element_type3A_125 = arith.extui %eq3A_124 : i1 to i32
    %cond3A_126 = arith.constant 0 : i32
    %cond3A_127 = arith.cmpi ne, %convert_element_type3A_125, %cond3A_126 : i32
    scf.if %cond3A_127 {
      %mul3A_128 = arith.constant 640 : i32
      %mul3A_129 = arith.muli %arg1, %mul3A_128 : i32
      "tpu.region"() ({
        %run_scoped3A = tpu.sem_alloc : memref<!tpu.dma_semaphore, #tpu.memory_space<semaphore_mem>>
        %dma_start3A_130 = arith.constant 0 : i32
        %dma_start3A_131 = tpu.memref_slice %arg7[%mul3A_129, %dma_start3A_130] : memref<10240x128xf32, #tpu.memory_space<hbm>> -> memref<640x128xf32, #tpu.memory_space<hbm>>
        %dma_start3A_132 = arith.constant 0 : i32
        %dma_start3A_133 = tpu.memref_slice %arg12[%mul3A_129, %dma_start3A_132] : memref<10240x128xf32, #tpu.memory_space<vmem_shared>> -> memref<640x128xf32, #tpu.memory_space<vmem_shared>>
        tpu.enqueue_dma source(%dma_start3A_133 : memref<640x128xf32, #tpu.memory_space<vmem_shared>>) target(%dma_start3A_131 : memref<640x128xf32, #tpu.memory_space<hbm>>) target_semaphore(%run_scoped3A : memref<!tpu.dma_semaphore, #tpu.memory_space<semaphore_mem>>)
        %dma_wait3A_134 = arith.constant 0 : i32
        %dma_wait3A_135 = tpu.memref_slice %arg7[%mul3A_129, %dma_wait3A_134] : memref<10240x128xf32, #tpu.memory_space<hbm>> -> memref<640x128xf32, #tpu.memory_space<hbm>>
        %dma_wait3A_136 = arith.constant 0 : i32
        %dma_wait3A_137 = tpu.memref_slice %arg12[%mul3A_129, %dma_wait3A_136] : memref<10240x128xf32, #tpu.memory_space<vmem_shared>> -> memref<640x128xf32, #tpu.memory_space<vmem_shared>>
        tpu.wait_dma2 semaphore(%run_scoped3A : memref<!tpu.dma_semaphore, #tpu.memory_space<semaphore_mem>>) src(%dma_wait3A_137 : memref<640x128xf32, #tpu.memory_space<vmem_shared>>) dst(%dma_wait3A_135 : memref<640x128xf32, #tpu.memory_space<hbm>>)
        tpu.yield
      }) : () -> ()
    } else {
    }
    return
  }
}

module attributes {stable_mosaic.version = 14 : i64} {
  func.func @_mm_body(%arg0: i32, %arg1: memref<2000x128xf32, #tpu.memory_space<vmem>>, %arg2: memref<2000x128xf32, #tpu.memory_space<vmem>>, %arg3: memref<256x256xf32, #tpu.memory_space<vmem>>, %arg4: memref<1x256xf32, #tpu.memory_space<vmem>>, %arg5: memref<2000x256xf32, #tpu.memory_space<vmem>>) attributes {dimension_semantics = [#tpu.dimension_semantics<arbitrary>], iteration_bounds = array<i64: 5>, scalar_prefetch = 0 : i64, scratch_operands = 0 : i64, tpu.core_type = #tpu.core_type<tc>, window_params = [{transform_indices = @transform_0, window_bounds = array<i64: 2000, 128>}, {transform_indices = @transform_1, window_bounds = array<i64: 2000, 128>}, {pipeline_mode = #tpu.pipeline_mode<synchronous>, transform_indices = @transform_2, window_bounds = array<i64: 256, 256>}, {pipeline_mode = #tpu.pipeline_mode<synchronous>, transform_indices = @transform_3, window_bounds = array<i64: 1, 256>}, {transform_indices = @transform_4, window_bounds = array<i64: 2000, 256>}]} {
    %get3A = arith.constant 0 : index
    %get3A_0 = arith.constant 0 : index
    %get3A_1 = vector.load %arg1[%get3A, %get3A_0] : memref<2000x128xf32, #tpu.memory_space<vmem>>, vector<2000x128xf32>
    %get3A_2 = arith.constant 0 : index
    %get3A_3 = arith.constant 0 : index
    %get3A_4 = vector.load %arg3[%get3A_2, %get3A_3] : memref<256x256xf32, #tpu.memory_space<vmem>>, vector<256x128xf32>
    %dot_general3A = arith.constant dense<0.000000e+00> : vector<2000x256xf32>
    %dot_general3A_5 = tpu.matmul %get3A_1, %get3A_4, %dot_general3A {dimension_numbers = #tpu.dot_dimension_numbers<[1], [1], [0], [0], [0, 0, 1, 0], [], []>, transpose_lhs_hint = false} : vector<2000x128xf32>, vector<256x128xf32>, vector<2000x256xf32> -> vector<2000x256xf32>
    %get3A_6 = arith.constant 0 : index
    %get3A_7 = arith.constant 0 : index
    %get3A_8 = vector.load %arg2[%get3A_6, %get3A_7] : memref<2000x128xf32, #tpu.memory_space<vmem>>, vector<2000x128xf32>
    %get3A_9 = arith.constant 0 : index
    %get3A_10 = arith.constant 128 : index
    %get3A_11 = vector.load %arg3[%get3A_9, %get3A_10] : memref<256x256xf32, #tpu.memory_space<vmem>>, vector<256x128xf32>
    %dot_general3A_12 = arith.constant dense<0.000000e+00> : vector<2000x256xf32>
    %dot_general3A_13 = tpu.matmul %get3A_8, %get3A_11, %dot_general3A_12 {dimension_numbers = #tpu.dot_dimension_numbers<[1], [1], [0], [0], [0, 0, 1, 0], [], []>, transpose_lhs_hint = false} : vector<2000x128xf32>, vector<256x128xf32>, vector<2000x256xf32> -> vector<2000x256xf32>
    %add3A = arith.addf %dot_general3A_5, %dot_general3A_13 : vector<2000x256xf32>
    %get3A_14 = arith.constant 0 : index
    %get3A_15 = arith.constant 0 : index
    %get3A_16 = vector.load %arg4[%get3A_14, %get3A_15] : memref<1x256xf32, #tpu.memory_space<vmem>>, vector<1x256xf32>
    %add3A_17 = vector.broadcast %get3A_16 : vector<1x256xf32> to vector<2000x256xf32>
    %add3A_18 = arith.addf %add3A, %add3A_17 : vector<2000x256xf32>
    %swap3A = arith.constant 0 : index
    %swap3A_19 = arith.constant 0 : index
    %swap3A_20 = vector.load %arg5[%swap3A, %swap3A_19] : memref<2000x256xf32, #tpu.memory_space<vmem>>, vector<2000x256xf32>
    tpu.vector_store %arg5[%swap3A, %swap3A_19], %add3A_18 {strides = array<i32>} : memref<2000x256xf32, #tpu.memory_space<vmem>>, vector<2000x256xf32>,
    return
  }
  func.func @transform_0(%arg0: i32) -> (i32, i32) {
    %c0_i32 = arith.constant 0 : i32
    %c0_i32_0 = arith.constant 0 : i32
    return %arg0, %c0_i32 : i32, i32
  }
  func.func @transform_1(%arg0: i32) -> (i32, i32) {
    %c0_i32 = arith.constant 0 : i32
    %c0_i32_0 = arith.constant 0 : i32
    return %arg0, %c0_i32 : i32, i32
  }
  func.func @transform_2(%arg0: i32) -> (i32, i32) {
    %c0_i32 = arith.constant 0 : i32
    %c0_i32_0 = arith.constant 0 : i32
    %c0_i32_1 = arith.constant 0 : i32
    return %c0_i32, %c0_i32_0 : i32, i32
  }
  func.func @transform_3(%arg0: i32) -> (i32, i32) {
    %c0_i32 = arith.constant 0 : i32
    %c0_i32_0 = arith.constant 0 : i32
    %c0_i32_1 = arith.constant 0 : i32
    return %c0_i32, %c0_i32_0 : i32, i32
  }
  func.func @transform_4(%arg0: i32) -> (i32, i32) {
    %c0_i32 = arith.constant 0 : i32
    %c0_i32_0 = arith.constant 0 : i32
    return %arg0, %c0_i32 : i32, i32
  }
}

</mosaic_0001>

<sc_bundles>
// kernel: kernel.4.cloned.1.call-start
scs
__scs_entry_jumppad:
0x0: {  	(pc) =	sbr.rel $0x88, $3  }
0x1: {  	(tag) =	ssettag $0x0;
	lr =	simm.s32 $0x1  }
0x2: {  	[smem:$0x3F9D] =	sst lr;
	_ =	strace $0xD0000000  }
0x3: {  	_ = 	snop  }
0x4: {  	_ = 	snop  }
0x5: {  	_ = 	snop  }
0x6: {  	_ = 	snop  }
0x7: {  	_ = 	snop  }
__scs_overlays_trampoline_lowered:
0x8: {  	[smem:$0x3FAC] =	sst s0  }
0x9: {  	[smem:$0x3FAD] =	sst s1  }
0xa: {  	[smem:$0x3FAE] =	sst s2  }
0xb: {  	[smem:$0x3FAF] =	sst s3  }
0xc: {  	[smem:$0x3FB0] =	sst s4  }
0xd: {  	[smem:$0x3FB1] =	sst s5  }
0xe: {  	[smem:$0x3FB2] =	sst s6  }
0xf: {  	[smem:$0x3FB3] =	sst s7  }
0x10: {  	[smem:$0x3FB4] =	sst s8  }
0x11: {  	[smem:$0x3FB5] =	sst s9;
	s0 =	simm.s32 @!p0 $0x0  }
0x12: {  	s1 =	sld [smem:$0x3F9B];
	s0 =	simm.s32 @p0 $0x1  }
0x13: {  	[smem:$0x3FB6] =	sst s0;
	s0 =	simm.s32 @!p1 $0x0  }
0x14: {  	s2 =	sld [smem:$0x3F9A];
	s0 =	simm.s32 @p1 $0x1  }
0x15: {  	[smem:$0x3FB7] =	sst s0;
	s0 =	simm.s32 @!p2 $0x0  }
0x16: {  	s3 =	sld [smem:$0x3FDB];
	s0 =	simm.s32 @p2 $0x1  }
0x17: {  	s4 =	simm.s32 $0x1BF5;
	[smem:$0x3FB9] =	sst s0  }
0x18: {  	s0 =	sld [smem:$0x3F9C];
	_ =	swait.ge [sflag:s4], $0x0  }
0x19: {  	s7 =	sld [smem:$0x3F9D]  }
0x1a: {  	s8 =	sadd.s32 $0xFFFFE003, lr  }
0x1b: {  	s9 =	sadd.s32 $0xFFFFFEF7, lr;
	s5 =	simm.s32 $0xFFFFFFFF;
	p2 =	slt.u32 s8, $0xFFFFF086  }
0x1c: {  	p1 =	slt.u32 s9, $0xF7A;
	s5 =	simm.s32 @!p2 $0x0  }
0x1d: {  	s5 =	simm.s32 @p1 $0x1;
	p0 =	seq.s32 s7, s2  }
0x1e: {  	s7 =	smul.u32 @!p0 $0xF7A, s2;
	p2 =	seq.s32 @!p0 s5, $0x0  }
0x1f: {  	s9 =	smul.u32 $0xF7A, s1;
	s8 =	simm.s32 @!p0 $0x1BF5;
	p2 =	por !p2, p0  }
0x20: {  	[sflag:s8] =	ssyncset.s32 @!p0 $0xFFFFF086;
	s6 =	sadd.s32 @!p0 s3, s7;
	s7 =	simm.s32 @!p0 $0x108  }
0x21: {  	s3 =	sadd.s32 s3, s9;
	s6 =	sadd.s32 @!p0 $0x88, s6;
	s7 =	simm.s32 @p2 $0x1082  }
0x22: {  	[simem:s7], [sflag:s8] =	dma.local @!p0 [hbm:s6], $0xF7A  }
0x23: {  	s9 =	sor.u32 $0xD0000000, s2;
	s6 =	simm.s32 $0x108;
	_ =	swait.ge @!p0 [sflag:s8], $0x0  }
0x24: {  	s3 =	sadd.s32 $0x88, s3;
	s6 =	simm.s32 @!p1 $0x1082;
	[sflag:s4] =	ssyncset.s32 $0xFFFFF086  }
0x25: {  	[simem:s6], [sflag:s4] =	dma.local [hbm:s3], $0xF7A  }
0x26: {  	[smem:$0x3F9D] =	sst s1;
	(tag) =	ssettag s2;
	_ =	strace s9  }
0x27: {  	s1 =	sld [smem:$0x3FAD]  }
0x28: {  	s2 =	sld [smem:$0x3FAE]  }
0x29: {  	s4 =	sld [smem:$0x3FB0]  }
0x2a: {  	p0 =	seq.s32 s5, $0x0;
	s5 =	sld [smem:$0x3FB1]  }
0x2b: {  	s6 =	sld [smem:$0x3FB2]  }
0x2c: {  	s7 =	sld [smem:$0x3FB3]  }
0x2d: {  	s3 =	simm.s32 $0x108;
	s8 =	sld [smem:$0x3FB4]  }
0x2e: {  	s3 =	simm.s32 @!p0 $0x1082;
	s9 =	sld [smem:$0x3FB5]  }
0x2f: {  	lr =	sadd.s32 s0, s3;
	s0 =	sld [smem:$0x3FAC]  }
0x30: {  	s3 =	sld [smem:$0x3FAF]  }
0x31: {  	[smem:$0x3FB8] =	sst s10  }
0x32: {  	s10 =	sld [smem:$0x3FB6];
	_ =	sdelay $0x3  }
0x33: {  	p0 =	seq.s32 s10, $0x1;
	s10 =	sld [smem:$0x3FB8];
	_ =	sdelay $0x3  }
0x34: {  	[smem:$0x3FB8] =	sst s10  }
0x35: {  	s10 =	sld [smem:$0x3FB7];
	_ =	sdelay $0x3  }
0x36: {  	p1 =	seq.s32 s10, $0x1;
	s10 =	sld [smem:$0x3FB8];
	_ =	sdelay $0x3  }
0x37: {  	[smem:$0x3FB8] =	sst s10  }
0x38: {  	s10 =	sld [smem:$0x3FB9]  }
0x39: {  	_ = 	snop;
	(pc) =	sbr.ind lr, $3  }
0x3a: {  	_ = 	snop  }
0x3b: {  	_ = 	snop  }
0x3c: {  	p2 =	seq.s32 s10, $0x1;
	s10 =	sld [smem:$0x3FB8]  }
0x3d: {  	_ =	shalt  }
0x3e: {  	_ =	shalt  }
0x3f: {  	_ =	shalt  }
0x40: {  	_ =	shalt  }
0x41: {  	_ =	shalt  }
0x42: {  	_ =	shalt  }
0x43: {  	_ =	shalt  }
0x44: {  	_ =	shalt  }
0x45: {  	_ =	shalt  }
0x46: {  	_ =	shalt  }
0x47: {  	_ =	shalt  }
0x48: {  	_ =	shalt  }
0x49: {  	_ =	shalt  }
0x4a: {  	_ =	shalt  }
0x4b: {  	_ =	shalt  }
0x4c: {  	_ =	shalt  }
0x4d: {  	_ =	shalt  }
0x4e: {  	_ =	shalt  }
0x4f: {  	_ =	shalt  }
0x50: {  	_ =	shalt  }
0x51: {  	_ =	shalt  }
0x52: {  	_ =	shalt  }
0x53: {  	_ =	shalt  }
0x54: {  	_ =	shalt  }
0x55: {  	_ =	shalt  }
0x56: {  	_ =	shalt  }
0x57: {  	_ =	shalt  }
0x58: {  	_ =	shalt  }
0x59: {  	_ =	shalt  }
0x5a: {  	_ =	shalt  }
0x5b: {  	_ =	shalt  }
0x5c: {  	_ =	shalt  }
0x5d: {  	_ =	shalt  }
0x5e: {  	_ =	shalt  }
0x5f: {  	_ =	shalt  }
0x60: {  	_ =	shalt  }
0x61: {  	_ =	shalt  }
0x62: {  	_ =	shalt  }
0x63: {  	_ =	shalt  }
0x64: {  	_ =	shalt  }
0x65: {  	_ =	shalt  }
0x66: {  	_ =	shalt  }
0x67: {  	_ =	shalt  }
0x68: {  	_ =	shalt  }
0x69: {  	_ =	shalt  }
0x6a: {  	_ =	shalt  }
0x6b: {  	_ =	shalt  }
0x6c: {  	_ =	shalt  }
0x6d: {  	_ =	shalt  }
0x6e: {  	_ =	shalt  }
0x6f: {  	_ =	shalt  }
0x70: {  	_ =	shalt  }
0x71: {  	_ =	shalt  }
0x72: {  	_ =	shalt  }
0x73: {  	_ =	shalt  }
0x74: {  	_ =	shalt  }
0x75: {  	_ =	shalt  }
0x76: {  	_ =	shalt  }
0x77: {  	_ =	shalt  }
0x78: {  	_ =	shalt  }
0x79: {  	_ =	shalt  }
0x7a: {  	_ =	shalt  }
0x7b: {  	_ =	shalt  }
0x7c: {  	_ =	shalt  }
0x7d: {  	_ =	shalt  }
0x7e: {  	_ =	shalt  }
0x7f: {  	_ =	shalt  }
0x80: {  	_ =	shalt  }
0x81: {  	_ =	shalt  }
0x82: {  	_ =	shalt  }
0x83: {  	_ =	shalt  }
0x84: {  	_ =	shalt  }
0x85: {  	_ =	shalt  }
0x86: {  	_ =	shalt  }
0x87: {  	_ =	shalt  }
.Lfunc_end0:
.L_simem_size_0:
called_computation_lowered:
.L_overlay_start_0:
0x88: {  	s2 =	sld [smem:$0x3FD9]  }
0x89: {  	s3 =	sld [smem:$0x3FFE];
	_ =	sdelay $0x1  }
0x8a: {  	s1 =	srdreg.scid  }
0x8b: {  	s0 =	sand.u32 $0x1, s1  }
0x8c: {  	s17 =	sshll.u32 s0, $0xA;
	s2 =	sadd.s32 s3, s2  }
0x8d: {  	s2 =	sadd.s32 s2, s17  }
0x8e: {  	[smem:$0x3FC4] =	sst s2  }
0x8f: {  	_ = 	snop  }
0x90: {  	s2 =	sld [smem:$0x3FD0];
	(tm) =	ssettm $0x1  }
0x91: {  	s18 =	sld [smem:$0x3FFB];
	_ =	sdelay $0x3  }
0x92: {  	_ =	strace s18  }
0x93: {  	s3 =	sld [smem:$0x3FFC];
	_ =	sdelay $0x3  }
0x94: {  	_ =	strace s3  }
0x95: {  	s3 =	sld [smem:$0x3FFD];
	_ =	sdelay $0x3  }
0x96: {  	_ =	strace s3  }
0x97: {  	_ =	strace $0x8FFFFFFF  }
0x98: {  	s19 =	sld [smem:$0x3FDB];
	_ =	sdelay $0x1  }
0x99: {  	s4 =	simm.s32 $_scs_section_size  }
0x9a: {  	s5 =	simm.s32 $_size__tile_overlayer_lowered;
	s6 =	simm.s32 $_tile_overlayer_lowered  }
0x9b: {  	s22 =	simm.s32 $0x1BFF;
	s21 =	sshll.u32 s6, $0x1;
	s3 =	sadd.s32 s4, s19  }
0x9c: {  	s7 =	simm.s32 $0x0;
	s20 =	sshll.u32 s5, $0x1;
	s5 =	sadd.s32 s21, s3  }
0x9d: {  	[timem:s7], [sflag:s22] =	dma.local [hbm:s5], s20  }
0x9e: {  	_ =	swait.ge [sflag:s22], s20  }
0x9f: {  	s4 =	ssub.s32 $0x0, s20;
	[sflag:s22] =	ssyncset.done $0x0  }
0xa0: {  	[sflag:s22] =	ssyncadd.s32 s4;
	_ =	sdelay $0x1  }
0xa1: {  	s23 =	simm.s32 $0x1B8B  }
0xa2: {  	_ =	swait.ge [sflag:s23], $0x1  }
0xa3: {  	[sflag:s23] =	ssyncset.done $0x0  }
0xa4: {  	s25 =	simm.s32 $0x1B8E;
	s24 =	sld [smem:$0x3FFE];
	[sflag:s23] =	ssyncadd.s32 $0xFFFFFFFF  }
0xa5: {  	s26 =	simm.s32 $execute0_lowered;
	[smem:$0x3FD2] =	sst s25  }
0xa6: {  	s5 =	sshll.u32 s26, $0x1;
	_ =	strace $0x80000046;
	[dreg:$0x1] =	wrdreg $0xFFFFFFFF  }
0xa7: {  	s28 =	simm.s32 $_size_execute0_lowered;
	s3 =	sadd.s32 s3, s5;
	[dreg:$0x0] =	wrdreg $0x0  }
0xa8: {  	s5 =	sshll.u32 s28, $0x1;
	[dreg:$0x2] =	wrdreg s3  }
0xa9: {  	[dreg:$0x3] =	wrdreg s5  }
0xaa: {  	[dreg:$0x4] =	wrdreg $0xC0  }
0xab: {  	_ =	task [dreg:s7], $0x5FFFF  }
0xac: {  	[dreg:$0x1] =	wrdreg $0xFFFFFFFF  }
0xad: {  	[dreg:$0x0] =	wrdreg $0x60  }
0xae: {  	[dreg:$0x2] =	wrdreg s2  }
0xaf: {  	[dreg:$0x3] =	wrdreg s24  }
0xb0: {  	[dreg:$0x4] =	wrdreg $0xA8000  }
0xb1: {  	[dreg:$0x5] =	wrdreg $0x9  }
0xb2: {  	_ =	task.clear_ibuf [dreg:s7], $0x6FFFF;
	_ =	strace $0x90000046  }
0xb3: {  	s29 =	simm.s32 $0x9;
	_ =	strace $0x80000048  }
0xb4: {  	_ =	swait.ge [sflag:s29], $0x1  }
0xb5: {  	[sflag:s29] =	ssyncadd.s32 $0xFFFFFFFF  }
0xb6: {  	_ =	strace $0x90000048  }
0xb7: {  	_ =	sfence  }
0xb8: {  	s30 =	sld [smem:$0x0];
	_ =	sdelay $0x2  }
0xb9: {  	s31 =	sshll.u32 s1, $0xD;
	s1 =	sshrl.u32 s1, $0x2  }
0xba: {  	s3 =	sand.u32 $0x4000, s31;
	s1 =	sadd.s32 s1, s30  }
0xbb: {  	s0 =	sor.u32 s3, s0;
	s1 =	sshll.u32 s1, $0x11  }
0xbc: {  	s0 =	sor.u32 s1, s0  }
0xbd: {  	s0 =	sadd.s32 $0x8F2B, s0  }
0xbe: {  	[sflag:s0] =	ssyncadd.remote.s32 $0x1  }
0xbf: {  	_ =	sfence.sel $0xFFFF  }
0xc0: {  	[dreg:$0x0] =	wrdreg $0xFFFFFFFF;
	(pc) =	sbr.abs _section_cstart, $3  }
0xc1: {  	[dreg:$0x1] =	wrdreg $0xFFFFFFFF  }
0xc2: {  	_ =	task.clear_ibuf [dreg:s7], $0x2FFFF;
	_ =	strace $0x9FFFFFFF  }
0xc3: {  	(tm) =	ssettm $0x7FFFFFFF  }
tec
execute0_lowered:
.L_overlay_start_1:
0x0: {  	(tag) =	ssettag $0x1  }
0x1: {  	s1 =	rddreg [dreg:$0x0]  }
0x2: {  	s10 =	rddreg [dreg:$0x1]  }
0x3: {  	s3 =	rddreg [dreg:$0x2]  }
0x4: {  	s0 =	srdreg.scid;
	s2 =	rddreg [dreg:$0x3];
	s4 =	simm.s32 $0x0  }
0x5: {  	s15 =	simm.s32 $0x3A200;
	s16 =	simm.s32 $0x80;
	s17 =	simm.s32 $0x2800  }
0x6: {  	s18 =	simm.s32 $0x6800;
	s19 =	simm.s32 $0x1;
	s20 =	simm.s32 $0x2  }
0x7: {  	s21 =	simm.s32 $0x3;
	s22 =	simm.s32 $0x4;
	s6 =	sand.u32 $0x1, s0  }
0x8: {  	s23 =	simm.s32 $0x2780;
	s0 =	stileid.u32;
	s5 =	smul.u32 $0x28000, s6  }
0x9: {  	s24 =	simm.s32 $0x0;
	[smem:$0x7FF] =	sst s4;
	s12 =	smul.u32 $0x2800, s0  }
0xa: {  	_ =	strace $0x80000047;
	s7 =	smul.u32 $0x50000, s0;
	s8 =	ssub.s32 $0x2, s6  }
0xb: {  	s31 =	sshll.u32 s0, $0x6;
	p0 =	seq.s32 s6, $0x1;
	s13 =	sshrl.u32 s8, $0x1  }
0xc: {  	s6 =	sor.u32 $0x1C05, s31;
	s15 =	simm.s32 @!p0 $0x12200;
	s5 =	sadd.s32 s12, s5  }
0xd: {  	s30 =	sshrl.u32 s12, $0x3;
	s7 =	sshrl.u32 s7, $0x2;
	s13 =	ssub.s32 s8, s13  }
0xe: {  	s15 =	sadd.s32 s15, s10;
	s5 =	sshrl.u32 s5, $0x3;
	s11 =	sadd.s32 s30, s10  }
0xf: {  	s14 =	sadd.s32 s7, s3;
	s12 =	sadd.s32 s15, s12;
	s15 =	simm.s32 $0x1400  }
0x10: {  	s9 =	sadd.s32 s5, s10;
	s5 =	sadd.s32 $0xFA00, s10;
	s8 =	sadd.s32 $0xA00, s11  }
0x11: {  	s10 =	sadd.s32 $0xC80, s11;
	s11 =	smax.u32 s13, $0x1;
	s13 =	sshrl.u32 s14, $0x3  }
0x12: {  	s14 =	simm.s32 $0x5;
	s7 =	sadd.s32 $0x5A00, s9;
	s9 =	sadd.s32 $0x5C80, s9  }
.LBB2_1:
0x13: {  	[spmem:s13], [sflag:s6] =	dma.local [hbm:s5], $0x2800  }
0x14: {  	_ =	swait.ge [sflag:s14], $0x2800  }
0x15: {  	[sflag:s14] =	ssyncset.done $0x0  }
0x16: {  	[sflag:s14] =	ssyncadd.s32 $0xFFFFD800  }
0x17: {  	[bflag:$0x0] =	sbarrier.arrive $0xFFFF  }
0x18: {  	[tilespmem:s4], [sflag:$0x5] =	stream.linear.gather [hbm4b:s7+s4], $0x1400, $0x38;
	[tilespmem:$0x1E800] =	vst v63  }
0x19: {  	_ =	swait.ge [sflag:s14], $0x1400  }
0x1a: {  	[sflag:s14] =	ssyncset.done $0x0  }
0x1b: {  	[sflag:s14] =	ssyncadd.s32 $0xFFFFEC00  }
0x1c: {  	[tilespmem:s15], [sflag:$0x5] =	stream.linear.gather [hbm4b:s8+s4], $0x1400, $0x38;
	[tilespmem:$0x1E800] =	vst v63  }
0x1d: {  	_ =	swait.ge [sflag:s14], $0x1400  }
0x1e: {  	[sflag:s14] =	ssyncset.done $0x0  }
0x1f: {  	[sflag:s14] =	ssyncadd.s32 $0xFFFFEC00  }
0x20: {  	[tilespmem:s17], [sflag:$0x1] =	stream.indirect.gather [hbm4b:s1+s16], $0x80, s4, s16, $0xb8;
	[tilespmem:$0x1E800] =	vst v63  }
0x21: {  	_ = 	snop  }
0x22: {  	[tilespmem:s18], [sflag:$0x2] =	stream.indirect.gather [hbm4b:s1+s16], $0x80, s16, s16, $0xb8;
	[tilespmem:$0x1E800] =	vst v63  }
0x23: {  	_ =	swait.ge [sflag:s19], $0x4000  }
0x24: {  	[sflag:s19] =	ssyncset.done $0x0  }
0x25: {  	[sflag:s19] =	ssyncadd.s32 $0xFFFFC000  }
0x26: {  	[spmem:s3] =	stream.indirect.scatter.add.f32 [tilespmem:s17], [sflag:$0x3], $0x80, s15, s16, $0xb8;
	[tilespmem:$0x1E800] =	vst v63  }
0x27: {  	_ =	swait.ge [sflag:s20], $0x4000  }
0x28: {  	[sflag:s20] =	ssyncset.done $0x0  }
0x29: {  	[sflag:s20] =	ssyncadd.s32 $0xFFFFC000  }
0x2a: {  	_ =	swait.ge [sflag:s21], $0x4000  }
0x2b: {  	[sflag:s21] =	ssyncset.done $0x0  }
0x2c: {  	s25 =	simm.s32 $0x100;
	[sflag:s21] =	ssyncadd.s32 $0xFFFFC000  }
0x2d: {  	[tilespmem:s17], [sflag:$0x1] =	stream.indirect.gather [hbm4b:s1+s16], $0x80, s25, s16, $0xb8;
	[tilespmem:$0x1E800] =	vst v63  }
0x2e: {  	s30 =	simm.s32 $0x1480  }
0x2f: {  	[spmem:s3] =	stream.indirect.scatter.add.f32 [tilespmem:s18], [sflag:$0x4], $0x80, s30, s16, $0xb8;
	[tilespmem:$0x1E800] =	vst v63  }
0x30: {  	_ =	swait.ge [sflag:s19], $0x4000  }
0x31: {  	[sflag:s19] =	ssyncset.done $0x0  }
0x32: {  	[sflag:s19] =	ssyncadd.s32 $0xFFFFC000  }
0x33: {  	_ =	swait.ge [sflag:s22], $0x4000  }
0x34: {  	s31 =	simm.s32 $0x180;
	[sflag:s22] =	ssyncset.done $0x0  }
0x35: {  	s26 =	simm.s32 $0x1500;
	s25 =	simm.s32 $0xFFFFB800;
	[sflag:s22] =	ssyncadd.s32 $0xFFFFC000  }
0x36: {  	[tilespmem:s18], [sflag:$0x2] =	stream.indirect.gather [hbm4b:s1+s16], $0x80, s31, s16, $0xb8;
	[tilespmem:$0x1E800] =	vst v63  }
.LBB2_2:
0x37: {  	[spmem:s3] =	stream.indirect.scatter.add.f32 [tilespmem:s17], [sflag:$0x3], $0x80, s26, s16, $0xb8;
	[tilespmem:$0x1E800] =	vst v63  }
0x38: {  	s26 =	smov.u32 s25  }
0x39: {  	p0 =	sne.s32 s25, $0xFFFFFC00;
	s25 =	sadd.s32 $0x400, s25;
	_ =	swait.ge [sflag:s20], $0x4000  }
0x3a: {  	[sflag:s20] =	ssyncset.done $0x0  }
0x3b: {  	[sflag:s20] =	ssyncadd.s32 $0xFFFFC000  }
0x3c: {  	_ =	swait.ge [sflag:s21], $0x4000  }
0x3d: {  	s26 =	sshra.s32 s26, $0x2;
	[sflag:s21] =	ssyncset.done $0x0  }
0x3e: {  	s28 =	sadd.s32 $0x1400, s26;
	[sflag:s21] =	ssyncadd.s32 $0xFFFFC000  }
0x3f: {  	[tilespmem:s17], [sflag:$0x1] =	stream.indirect.gather [hbm4b:s1+s16], $0x80, s28, s16, $0xb8;
	[tilespmem:$0x1E800] =	vst v63  }
0x40: {  	s28 =	sadd.s32 $0x2780, s26  }
0x41: {  	[spmem:s3] =	stream.indirect.scatter.add.f32 [tilespmem:s18], [sflag:$0x4], $0x80, s28, s16, $0xb8;
	[tilespmem:$0x1E800] =	vst v63  }
0x42: {  	_ =	swait.ge [sflag:s19], $0x4000  }
0x43: {  	[sflag:s19] =	ssyncset.done $0x0  }
0x44: {  	[sflag:s19] =	ssyncadd.s32 $0xFFFFC000  }
.Ltmp0:
0x45: {  	_ =	swait.ge [sflag:s22], $0x4000;
	(pc) =	sbr.rel @p0 .LBB2_2-.Ltmp0, $4  }
0x46: {  	[sflag:s22] =	ssyncset.done $0x0  }
0x47: {  	s28 =	sadd.s32 $0x1480, s26;
	[sflag:s22] =	ssyncadd.s32 $0xFFFFC000  }
0x48: {  	[tilespmem:s18], [sflag:$0x2] =	stream.indirect.gather [hbm4b:s1+s16], $0x80, s28, s16, $0xb8;
	[tilespmem:$0x1E800] =	vst v63  }
0x49: {  	s26 =	sadd.s32 $0x2800, s26  }
0x4a: {  	[spmem:s3] =	stream.indirect.scatter.add.f32 [tilespmem:s17], [sflag:$0x3], $0x80, s26, s16, $0xb8;
	[tilespmem:$0x1E800] =	vst v63  }
0x4b: {  	_ =	swait.ge [sflag:s20], $0x4000  }
0x4c: {  	[sflag:s20] =	ssyncset.done $0x0  }
0x4d: {  	[sflag:s20] =	ssyncadd.s32 $0xFFFFC000  }
0x4e: {  	_ =	swait.ge [sflag:s21], $0x4000  }
0x4f: {  	[sflag:s21] =	ssyncset.done $0x0  }
0x50: {  	[sflag:s21] =	ssyncadd.s32 $0xFFFFC000  }
0x51: {  	[spmem:s3] =	stream.indirect.scatter.add.f32 [tilespmem:s18], [sflag:$0x4], $0x80, s23, s16, $0xb8;
	[tilespmem:$0x1E800] =	vst v63  }
0x52: {  	_ =	swait.ge [sflag:s22], $0x4000  }
0x53: {  	[sflag:s22] =	ssyncset.done $0x0  }
0x54: {  	[sflag:s22] =	ssyncadd.s32 $0xFFFFC000  }
0x55: {  	[tilespmem:s4], [sflag:$0x5] =	stream.linear.gather [hbm4b:s9+s4], $0x1400, $0x38;
	[tilespmem:$0x1E800] =	vst v63  }
0x56: {  	_ =	swait.ge [sflag:s14], $0x1400  }
0x57: {  	[sflag:s14] =	ssyncset.done $0x0  }
0x58: {  	[sflag:s14] =	ssyncadd.s32 $0xFFFFEC00  }
0x59: {  	[tilespmem:s15], [sflag:$0x5] =	stream.linear.gather [hbm4b:s10+s4], $0x1400, $0x38;
	[tilespmem:$0x1E800] =	vst v63  }
0x5a: {  	_ =	swait.ge [sflag:s14], $0x1400  }
0x5b: {  	[sflag:s14] =	ssyncset.done $0x0  }
0x5c: {  	[sflag:s14] =	ssyncadd.s32 $0xFFFFEC00  }
0x5d: {  	[tilespmem:s17], [sflag:$0x1] =	stream.indirect.gather [hbm4b:s1+s16], $0x80, s4, s16, $0xb8;
	[tilespmem:$0x1E800] =	vst v63  }
0x5e: {  	_ = 	snop  }
0x5f: {  	[tilespmem:s18], [sflag:$0x2] =	stream.indirect.gather [hbm4b:s1+s16], $0x80, s16, s16, $0xb8;
	[tilespmem:$0x1E800] =	vst v63  }
0x60: {  	_ =	swait.ge [sflag:s19], $0x4000  }
0x61: {  	[sflag:s19] =	ssyncset.done $0x0  }
0x62: {  	[sflag:s19] =	ssyncadd.s32 $0xFFFFC000  }
0x63: {  	[spmem:s3] =	stream.indirect.scatter.add.f32 [tilespmem:s17], [sflag:$0x3], $0x80, s15, s16, $0xb8;
	[tilespmem:$0x1E800] =	vst v63  }
0x64: {  	_ =	swait.ge [sflag:s20], $0x4000  }
0x65: {  	[sflag:s20] =	ssyncset.done $0x0  }
0x66: {  	[sflag:s20] =	ssyncadd.s32 $0xFFFFC000  }
0x67: {  	_ =	swait.ge [sflag:s21], $0x4000  }
0x68: {  	[sflag:s21] =	ssyncset.done $0x0  }
0x69: {  	s25 =	simm.s32 $0x100;
	[sflag:s21] =	ssyncadd.s32 $0xFFFFC000  }
0x6a: {  	[tilespmem:s17], [sflag:$0x1] =	stream.indirect.gather [hbm4b:s1+s16], $0x80, s25, s16, $0xb8;
	[tilespmem:$0x1E800] =	vst v63  }
0x6b: {  	s30 =	simm.s32 $0x1480  }
0x6c: {  	[spmem:s3] =	stream.indirect.scatter.add.f32 [tilespmem:s18], [sflag:$0x4], $0x80, s30, s16, $0xb8;
	[tilespmem:$0x1E800] =	vst v63  }
0x6d: {  	_ =	swait.ge [sflag:s19], $0x4000  }
0x6e: {  	[sflag:s19] =	ssyncset.done $0x0  }
0x6f: {  	[sflag:s19] =	ssyncadd.s32 $0xFFFFC000  }
0x70: {  	_ =	swait.ge [sflag:s22], $0x4000  }
0x71: {  	s31 =	simm.s32 $0x180;
	[sflag:s22] =	ssyncset.done $0x0  }
0x72: {  	s26 =	simm.s32 $0x1500;
	s25 =	simm.s32 $0xFFFFB800;
	[sflag:s22] =	ssyncadd.s32 $0xFFFFC000  }
0x73: {  	[tilespmem:s18], [sflag:$0x2] =	stream.indirect.gather [hbm4b:s1+s16], $0x80, s31, s16, $0xb8;
	[tilespmem:$0x1E800] =	vst v63  }
.LBB2_4:
0x74: {  	[spmem:s3] =	stream.indirect.scatter.add.f32 [tilespmem:s17], [sflag:$0x3], $0x80, s26, s16, $0xb8;
	[tilespmem:$0x1E800] =	vst v63  }
0x75: {  	s26 =	smov.u32 s25  }
0x76: {  	p0 =	sne.s32 s25, $0xFFFFFC00;
	s25 =	sadd.s32 $0x400, s25;
	_ =	swait.ge [sflag:s20], $0x4000  }
0x77: {  	[sflag:s20] =	ssyncset.done $0x0  }
0x78: {  	[sflag:s20] =	ssyncadd.s32 $0xFFFFC000  }
0x79: {  	_ =	swait.ge [sflag:s21], $0x4000  }
0x7a: {  	s26 =	sshra.s32 s26, $0x2;
	[sflag:s21] =	ssyncset.done $0x0  }
0x7b: {  	s28 =	sadd.s32 $0x1400, s26;
	[sflag:s21] =	ssyncadd.s32 $0xFFFFC000  }
0x7c: {  	[tilespmem:s17], [sflag:$0x1] =	stream.indirect.gather [hbm4b:s1+s16], $0x80, s28, s16, $0xb8;
	[tilespmem:$0x1E800] =	vst v63  }
0x7d: {  	s28 =	sadd.s32 $0x2780, s26  }
0x7e: {  	[spmem:s3] =	stream.indirect.scatter.add.f32 [tilespmem:s18], [sflag:$0x4], $0x80, s28, s16, $0xb8;
	[tilespmem:$0x1E800] =	vst v63  }
0x7f: {  	_ =	swait.ge [sflag:s19], $0x4000  }
0x80: {  	[sflag:s19] =	ssyncset.done $0x0  }
0x81: {  	[sflag:s19] =	ssyncadd.s32 $0xFFFFC000  }
.Ltmp1:
0x82: {  	_ =	swait.ge [sflag:s22], $0x4000;
	(pc) =	sbr.rel @p0 .LBB2_4-.Ltmp1, $4  }
0x83: {  	[sflag:s22] =	ssyncset.done $0x0  }
0x84: {  	s28 =	sadd.s32 $0x1480, s26;
	[sflag:s22] =	ssyncadd.s32 $0xFFFFC000  }
0x85: {  	[tilespmem:s18], [sflag:$0x2] =	stream.indirect.gather [hbm4b:s1+s16], $0x80, s28, s16, $0xb8;
	[tilespmem:$0x1E800] =	vst v63  }
0x86: {  	s26 =	sadd.s32 $0x2800, s26  }
0x87: {  	[spmem:s3] =	stream.indirect.scatter.add.f32 [tilespmem:s17], [sflag:$0x3], $0x80, s26, s16, $0xb8;
	[tilespmem:$0x1E800] =	vst v63  }
0x88: {  	_ =	swait.ge [sflag:s20], $0x4000  }
0x89: {  	[sflag:s20] =	ssyncset.done $0x0  }
0x8a: {  	[sflag:s20] =	ssyncadd.s32 $0xFFFFC000  }
0x8b: {  	_ =	swait.ge [sflag:s21], $0x4000  }
0x8c: {  	[sflag:s21] =	ssyncset.done $0x0  }
0x8d: {  	[sflag:s21] =	ssyncadd.s32 $0xFFFFC000  }
0x8e: {  	[spmem:s3] =	stream.indirect.scatter.add.f32 [tilespmem:s18], [sflag:$0x4], $0x80, s23, s16, $0xb8;
	[tilespmem:$0x1E800] =	vst v63  }
0x8f: {  	_ =	swait.ge [sflag:s22], $0x4000  }
0x90: {  	s24 =	sadd.s32 $0x1, s24;
	[sflag:s22] =	ssyncset.done $0x0  }
0x91: {  	p0 =	sne.s32 s24, s11;
	[sflag:s22] =	ssyncadd.s32 $0xFFFFC000  }
.Ltmp2:
0x92: {  	[bflag:$0x0] =	sbarrier.arrive $0xFFFF;
	(pc) =	sbr.rel @p0 .LBB2_1-.Ltmp2, $4  }
0x93: {  	[hbm:s12], [sflag:s6] =	dma.local [spmem:s13], $0x2800  }
0x94: {  	_ =	swait.ge [sflag:s14], $0x2800  }
0x95: {  	[sflag:s14] =	ssyncset.done $0x0  }
0x96: {  	[sflag:s14] =	ssyncadd.s32 $0xFFFFD800  }
0x97: {  	_ =	sfence.sel $0x180000  }
0x98: {  	[bflag:$0x0] =	sbarrier.arrive $0xFFFF  }
0x99: {  	p0 =	sne.s32 s0, $0x0;
	_ =	strace $0x90000047  }
0x9a: {  	s0 =	sadd.s32 @!p0 $0x100000, s2;
	[bflag:$0x2] =	sbarrier.arrive $0xFFFF  }
0x9b: {  	[sflag:s0] =	ssyncadd.tile.s32 @!p0 $0x1;
	_ =	shalt  }
.Lfunc_end2:
_tile_overlayer_lowered:
.L_overlay_start_2:
0x9c: {  	(tag) =	ssettag $0x2  }
0x9d: {  	s0 =	rddreg [dreg:$0x0];
	s2 =	stileid.u32  }
0x9e: {  	s1 =	rddreg [dreg:$0x1];
	p0 =	sne.s32 s2, $0x0  }
0x9f: {  	s3 =	rddreg [dreg:$0x2];
	[bflag:$0x3] =	sbarrier.arrive $0xFFFF;
	s2 =	simm.s32 @!p0 $0x1C05  }
0xa0: {  	[timem:s3], [sflag:s2] =	dma.local @!p0 [hbm:s0], s1  }
0xa1: {  	s0 =	simm.s32 @!p0 $0x5  }
0xa2: {  	_ =	swait.ge @!p0 [sflag:s0], s1  }
0xa3: {  	s1 =	ssub.s32 @!p0 $0x0, s1;
	[sflag:s0] =	ssyncset.done @!p0 $0x0  }
0xa4: {  	[sflag:s0] =	ssyncadd.s32 @!p0 s1  }
0xa5: {  	[bflag:$0x3] =	sbarrier.arrive $0xFFFF  }
0xa6: {  	_ =	shalt  }

</sc_bundles>
